<compile_context>
chip_gen: v7x
topology: tpu7x:2x2x1
jax: 0.10.2.dev20260603
libtpu: 0.0.44.dev20260713+nightly
codegen_flags: <defaults>
</compile_context>

<pallas_src>
import functools

import jax
import jax.numpy as jnp
from jax import lax
from jax.experimental import pallas as pl
from jax.experimental.pallas import tpu as pltpu
from jax.experimental.pallas import tpu_sc as plsc

V = 100000
F = 200000
N, H, W, D = 4, 512, 512, 3
P = N * H * W
HW = H * W

NC, NS = 2, 16
NW = NC * NS
L = 16

FI = F * 3
FI_W = 18816
FI_PAD = NW * FI_W
NB1 = 2
VB = FI_W // NB1
F_PAD = FI_PAD // 3

PIX_W = P // NW
PIX_B = 1024
NB2 = PIX_W // PIX_B

_params = pltpu.CompilerParams(use_tc_tiling_on_sc=False,
                               needs_layout_passes=False)
_mesh = functools.partial(
    plsc.VectorSubcoreMesh,
    core_axis_name="c", subcore_axis_name="s",
    num_cores=NC, num_subcores=NS,
)


def _wid():
    return lax.axis_index("s") * NC + lax.axis_index("c")


def _splat(k):
    return jnp.full((L,), k, jnp.int32)


@functools.partial(
    pl.kernel,
    out_type=jax.ShapeDtypeStruct((FI_PAD, 8), jnp.float32),
    mesh=_mesh(),
    compiler_params=_params,
    scratch_types=[
        pltpu.VMEM((VB,), jnp.int32),
        pltpu.VMEM((VB, 8), jnp.float32),
        pltpu.SemaphoreType.DMA,
    ],
)
def _build_face_tab(vc_hbm, fidx_hbm, tab_hbm, idx_v, rows_v, sem):
    i0 = _wid() * FI_W

    def body(b, carry):
        base = i0 + b * VB
        pltpu.sync_copy(fidx_hbm.at[pl.ds(base, VB)], idx_v)
        pltpu.async_copy(vc_hbm.at[idx_v], rows_v, sem).wait()
        pltpu.sync_copy(rows_v, tab_hbm.at[pl.ds(base, VB)])
        return carry

    lax.fori_loop(0, NB1, body, 0, unroll=False)


@functools.partial(
    pl.kernel,
    out_type=jax.ShapeDtypeStruct((N * 3 * HW,), jnp.float32),
    mesh=_mesh(),
    compiler_params=_params,
    scratch_types=[
        [pltpu.VMEM((PIX_B,), jnp.int32) for _ in range(2)],
        [pltpu.VMEM((PIX_B, 24), jnp.float32) for _ in range(2)],
        pltpu.VMEM((PIX_B * 3,), jnp.float32),
        pltpu.VMEM((3, PIX_B), jnp.float32),
        [pltpu.SemaphoreType.DMA for _ in range(2)],
    ],
)
def _shade(tab_hbm, pf_hbm, bary_hbm, out_hbm, pf_v, rows_v, bary_v, out_v, sems):
    wid = _wid()
    pix0 = wid * PIX_W
    img = pix0 // HW
    q0 = pix0 - img * HW

    def fire(blk, k):
        pltpu.sync_copy(pf_hbm.at[pl.ds(pix0 + blk * PIX_B, PIX_B)], pf_v[k])
        pltpu.async_copy(tab_hbm.at[pf_v[k]], rows_v[k], sems[k])

    for k in range(2):
        fire(k, k)

    def do_block(blk, k):
        qb = q0 + blk * PIX_B
        boff = img * (H * 3 * W) + (qb // W) * (3 * W)
        pltpu.sync_copy(bary_hbm.at[pl.ds(boff, PIX_B * 3)], bary_v)
        pltpu.make_async_copy(tab_hbm.at[pf_v[k]], rows_v[k], sems[k]).wait()

        def group(g, cvec):
            off = (g >> 5) * (3 * W) + (g & 31) * L
            b0 = bary_v[pl.ds(off, L)]
            b1 = bary_v[pl.ds(off + W, L)]
            b2 = bary_v[pl.ds(off + 2 * W, L)]
            go = g * L
            for d in range(3):
                acc = (b0 * plsc.load_gather(rows_v[k], [cvec, _splat(d)])
                       + b1 * plsc.load_gather(rows_v[k], [cvec, _splat(8 + d)])
                       + b2 * plsc.load_gather(rows_v[k], [cvec, _splat(16 + d)]))
                out_v[d, pl.ds(go, L)] = acc
            return cvec + L

        lax.fori_loop(0, PIX_B // L, group, lax.iota(jnp.int32, L), unroll=False)
        for d in range(3):
            pltpu.sync_copy(
                out_v.at[d],
                out_hbm.at[pl.ds((img * 3 + d) * HW + qb, PIX_B)])

    def body(b, carry):
        for k in range(2):
            blk = b * 2 + k
            do_block(blk, k)

            @pl.when(blk + 2 < NB2)
            def _():
                fire(blk + 2, k)
        return carry

    lax.fori_loop(0, NB2 // 2, body, 0, unroll=False)


def kernel(verts_colors, faces, pix_to_face, bary_coords):
    vc = verts_colors.astype(jnp.float32)
    vc8 = jnp.concatenate([vc, jnp.zeros((V, 5), jnp.float32)], axis=1)
    fidx = faces.reshape(-1).astype(jnp.int32)
    fidx = jnp.concatenate([fidx, jnp.zeros((FI_PAD - FI,), jnp.int32)])
    pf = pix_to_face.reshape(P).astype(jnp.int32)
    bary = (bary_coords.astype(jnp.float32).transpose(0, 1, 4, 3, 2)
            .reshape(N * H * 3 * W))

    tab = _build_face_tab(vc8, fidx).reshape(F_PAD, 24)
    out = _shade(tab, pf, bary)
    return out.reshape(N, 3, H, W).transpose(0, 2, 3, 1)

# --- scband reference (transcript-rebuilt; emitter-appended) ---
"""Pipeline reference for scband-unlit-shader-24326694765031 (READ-ONLY COPY).

The authoritative reference and input builder live on the scoring server;
editing this copy changes nothing except your own understanding.
"""

import jax, jax.numpy as jnp
import numpy as np

V = 100000
F = 200000
N, H, W, K, D = 4, 512, 512, 1, 3

def setup_inputs(seed: int = 0) -> dict:
    key = jax.random.key(seed)
    k1, k2, k3, k4 = jax.random.split(key, 4)
    verts_colors = jax.random.uniform(k1, (V, D), dtype=jnp.float32)
    faces = jax.random.randint(k2, (F, 3), 0, V, dtype=jnp.int64)
    pix_to_face = jax.random.randint(k3, (N, H, W, K), 0, F, dtype=jnp.int64)
    bary_coords = jax.random.uniform(k4, (N, H, W, K, 3), dtype=jnp.float32)
    return {"verts_colors": verts_colors, "faces": faces, "pix_to_face": pix_to_face, "bary_coords": bary_coords}

def interpolate_face_attributes(pix_to_face, bary_coords, face_attributes):
    # face_attributes: [F, 3, D]; pix_to_face: [N,H,W,K]; bary: [N,H,W,K,3]
    mask = pix_to_face < 0
    idx = jnp.where(mask, 0, pix_to_face)
    # gather per-pixel face attributes -> [N,H,W,K,3,D]
    pixel_face_attrs = jnp.take(face_attributes, idx, axis=0)
    # barycentric interpolation: sum over the 3 vertices
    pixel_vals = jnp.sum(bary_coords[..., None] * pixel_face_attrs, axis=-2)
    pixel_vals = jnp.where(mask[..., None], 0.0, pixel_vals)
    return pixel_vals

def reference(verts_colors, faces, pix_to_face, bary_coords):
    # faces_packed gather: per-face vertex colors [F, 3, D]
    face_colors = jnp.take(verts_colors, faces, axis=0)
    pixel_colors = interpolate_face_attributes(pix_to_face, bary_coords, face_colors)
    return pixel_colors[..., 0, :]

if __name__ == "__main__":
    import jax
    _d = setup_inputs()
    print(jax.jit(kernel)(*tuple(_d.values())))

</pallas_src>

<mosaic_0001>
#map = affine_map<(d0, d1) -> (0, 0)>
#map1 = affine_map<(d0, d1) -> (0)>
module attributes {stable_mosaic.version = 14 : i64} {
  func.func @_build_face_tab(%arg0: i32, %arg1: i32, %arg2: memref<100000x8xf32, #tpu.memory_space<hbm>>, %arg3: memref<602112xi32, #tpu.memory_space<hbm>>, %arg4: memref<602112x8xf32, #tpu.memory_space<hbm>>, %arg5: memref<9408xi32, #tpu.memory_space<vmem>>, %arg6: memref<9408x8xf32, #tpu.memory_space<vmem>>, %arg7: memref<!tpu.dma_semaphore, #tpu.memory_space<semaphore_mem>>) attributes {dimension_semantics = [#tpu.dimension_semantics<core_parallel>, #tpu.dimension_semantics<subcore_parallel>], iteration_bounds = array<i64: 2, 16>, scalar_prefetch = 0 : i64, scratch_operands = 3 : i64, tpu.core_type = #tpu.core_type<sc_vector_subcore>, window_params = [{transform_indices = #map}, {transform_indices = #map1}, {transform_indices = #map}]} {
    %mul3A = arith.constant 2 : i32
    %mul3A_0 = arith.muli %arg1, %mul3A : i32
    %add3A = arith.addi %mul3A_0, %arg0 : i32
    %mul3A_1 = arith.constant 18816 : i32
    %mul3A_2 = arith.muli %add3A, %mul3A_1 : i32
    %scan3A = arith.constant 0 : i32
    %scan3A_3 = arith.constant 0 : i32
    %scan3A_4 = arith.constant 2 : i32
    %scan3A_5 = arith.addi %scan3A_3, %scan3A_4 : i32
    %scan3A_6 = arith.constant 1 : i32
    scf.for %scan3A_8 = %scan3A_3 to %scan3A_5 step %scan3A_6  : i32 {
      %mul3A_9 = arith.constant 9408 : i32
      %mul3A_10 = arith.muli %scan3A_8, %mul3A_9 : i32
      %add3A_11 = arith.addi %mul3A_2, %mul3A_10 : i32
      "tpu.region"() ({
        %run_scoped3A = tpu.sem_alloc : memref<!tpu.dma_semaphore, #tpu.memory_space<semaphore_mem>>
        %dma_start3A_16 = tpu.memref_slice %arg3[%add3A_11] : memref<602112xi32, #tpu.memory_space<hbm>> -> memref<9408xi32, #tpu.memory_space<hbm>>
        %dma_start3A_17 = tpu.memref_slice %arg3[%add3A_11] : memref<602112xi32, #tpu.memory_space<hbm>> -> memref<9408xi32, #tpu.memory_space<hbm>>
        tpu.enqueue_dma source(%dma_start3A_17 : memref<9408xi32, #tpu.memory_space<hbm>>) target(%arg5 : memref<9408xi32, #tpu.memory_space<vmem>>) target_semaphore(%run_scoped3A : memref<!tpu.dma_semaphore, #tpu.memory_space<semaphore_mem>>)
        %dma_wait3A_18 = tpu.memref_slice %arg3[%add3A_11] : memref<602112xi32, #tpu.memory_space<hbm>> -> memref<9408xi32, #tpu.memory_space<hbm>>
        %dma_wait3A_19 = tpu.memref_slice %arg3[%add3A_11] : memref<602112xi32, #tpu.memory_space<hbm>> -> memref<9408xi32, #tpu.memory_space<hbm>>
        tpu.wait_dma2 semaphore(%run_scoped3A : memref<!tpu.dma_semaphore, #tpu.memory_space<semaphore_mem>>) src(%dma_wait3A_19 : memref<9408xi32, #tpu.memory_space<hbm>>) dst(%arg5 : memref<9408xi32, #tpu.memory_space<vmem>>)
        tpu.yield
      }) : () -> ()
      %dma_start3A = arith.constant 0 : i32
      %dma_start3A_12 = arith.constant 0 : i32
      %dma_start3A_13 = tpu.memref_slice %arg2[%dma_start3A, %dma_start3A_12] : memref<100000x8xf32, #tpu.memory_space<hbm>> -> memref<100000x8xf32, #tpu.memory_space<hbm>>
      tpu.enqueue_indirect_dma source(%dma_start3A_13 : memref<100000x8xf32, #tpu.memory_space<hbm>>) target(%arg6 : memref<9408x8xf32, #tpu.memory_space<vmem>>) offsets(%arg5 : memref<9408xi32, #tpu.memory_space<vmem>>) semaphore(%arg7 : memref<!tpu.dma_semaphore, #tpu.memory_space<semaphore_mem>>)
      %dma_wait3A = arith.constant 0 : i32
      %dma_wait3A_14 = arith.constant 0 : i32
      %dma_wait3A_15 = tpu.memref_slice %arg2[%dma_wait3A, %dma_wait3A_14] : memref<100000x8xf32, #tpu.memory_space<hbm>> -> memref<100000x8xf32, #tpu.memory_space<hbm>>
      tpu.wait_indirect_dma semaphore(%arg7 : memref<!tpu.dma_semaphore, #tpu.memory_space<semaphore_mem>>) src(%dma_wait3A_15 : memref<100000x8xf32, #tpu.memory_space<hbm>>) dst(%arg6 : memref<9408x8xf32, #tpu.memory_space<vmem>>)
      "tpu.region"() ({
        %run_scoped3A = tpu.sem_alloc : memref<!tpu.dma_semaphore, #tpu.memory_space<semaphore_mem>>
        %dma_start3A_16 = arith.constant 0 : i32
        %dma_start3A_17 = tpu.memref_slice %arg4[%add3A_11, %dma_start3A_16] : memref<602112x8xf32, #tpu.memory_space<hbm>> -> memref<9408x8xf32, #tpu.memory_space<hbm>>
        %dma_start3A_18 = arith.constant 0 : i32
        %dma_start3A_19 = tpu.memref_slice %arg4[%add3A_11, %dma_start3A_18] : memref<602112x8xf32, #tpu.memory_space<hbm>> -> memref<9408x8xf32, #tpu.memory_space<hbm>>
        tpu.enqueue_dma source(%arg6 : memref<9408x8xf32, #tpu.memory_space<vmem>>) target(%dma_start3A_19 : memref<9408x8xf32, #tpu.memory_space<hbm>>) target_semaphore(%run_scoped3A : memref<!tpu.dma_semaphore, #tpu.memory_space<semaphore_mem>>)
        %dma_wait3A_20 = arith.constant 0 : i32
        %dma_wait3A_21 = tpu.memref_slice %arg4[%add3A_11, %dma_wait3A_20] : memref<602112x8xf32, #tpu.memory_space<hbm>> -> memref<9408x8xf32, #tpu.memory_space<hbm>>
        %dma_wait3A_22 = arith.constant 0 : i32
        %dma_wait3A_23 = tpu.memref_slice %arg4[%add3A_11, %dma_wait3A_22] : memref<602112x8xf32, #tpu.memory_space<hbm>> -> memref<9408x8xf32, #tpu.memory_space<hbm>>
        tpu.wait_dma2 semaphore(%run_scoped3A : memref<!tpu.dma_semaphore, #tpu.memory_space<semaphore_mem>>) src(%arg6 : memref<9408x8xf32, #tpu.memory_space<vmem>>) dst(%dma_wait3A_23 : memref<9408x8xf32, #tpu.memory_space<hbm>>)
        tpu.yield
      }) : () -> ()
    }
    %scan3A_7 = arith.constant 2 : i32
    return
  }
}

#map = affine_map<(d0, d1) -> (0, 0)>
#map1 = affine_map<(d0, d1) -> (0)>
module attributes {stable_mosaic.version = 14 : i64} {
  func.func @_shade(%arg0: i32, %arg1: i32, %arg2: memref<200704x24xf32, #tpu.memory_space<hbm>>, %arg3: memref<1048576xi32, #tpu.memory_space<hbm>>, %arg4: memref<3145728xf32, #tpu.memory_space<hbm>>, %arg5: memref<3145728xf32, #tpu.memory_space<hbm>>, %arg6: memref<1024xi32, #tpu.memory_space<vmem>>, %arg7: memref<1024xi32, #tpu.memory_space<vmem>>, %arg8: memref<1024x24xf32, #tpu.memory_space<vmem>>, %arg9: memref<1024x24xf32, #tpu.memory_space<vmem>>, %arg10: memref<3072xf32, #tpu.memory_space<vmem>>, %arg11: memref<3x1024xf32, #tpu.memory_space<vmem>>, %arg12: memref<!tpu.dma_semaphore, #tpu.memory_space<semaphore_mem>>, %arg13: memref<!tpu.dma_semaphore, #tpu.memory_space<semaphore_mem>>) attributes {dimension_semantics = [#tpu.dimension_semantics<core_parallel>, #tpu.dimension_semantics<subcore_parallel>], iteration_bounds = array<i64: 2, 16>, scalar_prefetch = 0 : i64, scratch_operands = 8 : i64, tpu.core_type = #tpu.core_type<sc_vector_subcore>, window_params = [{transform_indices = #map}, {transform_indices = #map1}, {transform_indices = #map1}, {transform_indices = #map1}]} {
    %mul3A = arith.constant 2 : i32
    %mul3A_0 = arith.muli %arg1, %mul3A : i32
    %add3A = arith.addi %mul3A_0, %arg0 : i32
    %mul3A_1 = arith.constant 32768 : i32
    %mul3A_2 = arith.muli %add3A, %mul3A_1 : i32
    %jit3A = arith.constant 262144 : i32
    %div3A = arith.divsi %mul3A_2, %jit3A : i32
    %sign3A = arith.constant 0 : i32
    %sign3A_3 = arith.cmpi sgt, %mul3A_2, %sign3A : i32
    %sign3A_4 = arith.extui %sign3A_3 : i1 to i32
    %sign3A_5 = arith.constant 0 : i32
    %sign3A_6 = arith.cmpi slt, %mul3A_2, %sign3A_5 : i32
    %sign3A_7 = arith.extui %sign3A_6 : i1 to i32
    %sign3A_8 = arith.subi %sign3A_4, %sign3A_7 : i32
    %sign3A_9 = arith.constant 0 : i32
    %sign3A_10 = arith.cmpi sgt, %jit3A, %sign3A_9 : i32
    %sign3A_11 = arith.extui %sign3A_10 : i1 to i32
    %sign3A_12 = arith.constant 0 : i32
    %sign3A_13 = arith.cmpi slt, %jit3A, %sign3A_12 : i32
    %sign3A_14 = arith.extui %sign3A_13 : i1 to i32
    %sign3A_15 = arith.subi %sign3A_11, %sign3A_14 : i32
    %ne3A = arith.cmpi ne, %sign3A_8, %sign3A_15 : i32
    %rem3A = arith.remsi %mul3A_2, %jit3A : i32
    %ne3A_16 = arith.constant 0 : i32
    %ne3A_17 = arith.cmpi ne, %rem3A, %ne3A_16 : i32
    %and3A = arith.andi %ne3A, %ne3A_17 : i1
    %sub3A = arith.constant 1 : i32
    %sub3A_18 = arith.subi %div3A, %sub3A : i32
    %select_n3A = arith.select %and3A, %sub3A_18, %div3A : i32
    %mul3A_19 = arith.constant 262144 : i32
    %mul3A_20 = arith.muli %select_n3A, %mul3A_19 : i32
    %sub3A_21 = arith.subi %mul3A_2, %mul3A_20 : i32
    %add3A_22 = arith.constant 0 : i32
    %add3A_23 = arith.addi %mul3A_2, %add3A_22 : i32
    "tpu.region"() ({
      %run_scoped3A = tpu.sem_alloc : memref<!tpu.dma_semaphore, #tpu.memory_space<semaphore_mem>>
      %dma_start3A_36 = tpu.memref_slice %arg3[%add3A_23] : memref<1048576xi32, #tpu.memory_space<hbm>> -> memref<1024xi32, #tpu.memory_space<hbm>>
      %dma_start3A_37 = tpu.memref_slice %arg3[%add3A_23] : memref<1048576xi32, #tpu.memory_space<hbm>> -> memref<1024xi32, #tpu.memory_space<hbm>>
      tpu.enqueue_dma source(%dma_start3A_37 : memref<1024xi32, #tpu.memory_space<hbm>>) target(%arg6 : memref<1024xi32, #tpu.memory_space<vmem>>) target_semaphore(%run_scoped3A : memref<!tpu.dma_semaphore, #tpu.memory_space<semaphore_mem>>)
      %dma_wait3A = tpu.memref_slice %arg3[%add3A_23] : memref<1048576xi32, #tpu.memory_space<hbm>> -> memref<1024xi32, #tpu.memory_space<hbm>>
      %dma_wait3A_38 = tpu.memref_slice %arg3[%add3A_23] : memref<1048576xi32, #tpu.memory_space<hbm>> -> memref<1024xi32, #tpu.memory_space<hbm>>
      tpu.wait_dma2 semaphore(%run_scoped3A : memref<!tpu.dma_semaphore, #tpu.memory_space<semaphore_mem>>) src(%dma_wait3A_38 : memref<1024xi32, #tpu.memory_space<hbm>>) dst(%arg6 : memref<1024xi32, #tpu.memory_space<vmem>>)
      tpu.yield
    }) : () -> ()
    %dma_start3A = arith.constant 0 : i32
    %dma_start3A_24 = arith.constant 0 : i32
    %dma_start3A_25 = tpu.memref_slice %arg2[%dma_start3A, %dma_start3A_24] : memref<200704x24xf32, #tpu.memory_space<hbm>> -> memref<200704x24xf32, #tpu.memory_space<hbm>>
    tpu.enqueue_indirect_dma source(%dma_start3A_25 : memref<200704x24xf32, #tpu.memory_space<hbm>>) target(%arg8 : memref<1024x24xf32, #tpu.memory_space<vmem>>) offsets(%arg6 : memref<1024xi32, #tpu.memory_space<vmem>>) semaphore(%arg12 : memref<!tpu.dma_semaphore, #tpu.memory_space<semaphore_mem>>)
    %add3A_26 = arith.constant 1024 : i32
    %add3A_27 = arith.addi %mul3A_2, %add3A_26 : i32
    "tpu.region"() ({
      %run_scoped3A = tpu.sem_alloc : memref<!tpu.dma_semaphore, #tpu.memory_space<semaphore_mem>>
      %dma_start3A_36 = tpu.memref_slice %arg3[%add3A_27] : memref<1048576xi32, #tpu.memory_space<hbm>> -> memref<1024xi32, #tpu.memory_space<hbm>>
      %dma_start3A_37 = tpu.memref_slice %arg3[%add3A_27] : memref<1048576xi32, #tpu.memory_space<hbm>> -> memref<1024xi32, #tpu.memory_space<hbm>>
      tpu.enqueue_dma source(%dma_start3A_37 : memref<1024xi32, #tpu.memory_space<hbm>>) target(%arg7 : memref<1024xi32, #tpu.memory_space<vmem>>) target_semaphore(%run_scoped3A : memref<!tpu.dma_semaphore, #tpu.memory_space<semaphore_mem>>)
      %dma_wait3A = tpu.memref_slice %arg3[%add3A_27] : memref<1048576xi32, #tpu.memory_space<hbm>> -> memref<1024xi32, #tpu.memory_space<hbm>>
      %dma_wait3A_38 = tpu.memref_slice %arg3[%add3A_27] : memref<1048576xi32, #tpu.memory_space<hbm>> -> memref<1024xi32, #tpu.memory_space<hbm>>
      tpu.wait_dma2 semaphore(%run_scoped3A : memref<!tpu.dma_semaphore, #tpu.memory_space<semaphore_mem>>) src(%dma_wait3A_38 : memref<1024xi32, #tpu.memory_space<hbm>>) dst(%arg7 : memref<1024xi32, #tpu.memory_space<vmem>>)
      tpu.yield
    }) : () -> ()
    %dma_start3A_28 = arith.constant 0 : i32
    %dma_start3A_29 = arith.constant 0 : i32
    %dma_start3A_30 = tpu.memref_slice %arg2[%dma_start3A_28, %dma_start3A_29] : memref<200704x24xf32, #tpu.memory_space<hbm>> -> memref<200704x24xf32, #tpu.memory_space<hbm>>
    tpu.enqueue_indirect_dma source(%dma_start3A_30 : memref<200704x24xf32, #tpu.memory_space<hbm>>) target(%arg9 : memref<1024x24xf32, #tpu.memory_space<vmem>>) offsets(%arg7 : memref<1024xi32, #tpu.memory_space<vmem>>) semaphore(%arg13 : memref<!tpu.dma_semaphore, #tpu.memory_space<semaphore_mem>>)
    %scan3A = arith.constant 0 : i32
    %scan3A_31 = arith.constant 0 : i32
    %scan3A_32 = arith.constant 16 : i32
    %scan3A_33 = arith.addi %scan3A_31, %scan3A_32 : i32
    %scan3A_34 = arith.constant 1 : i32
    scf.for %scan3A_36 = %scan3A_31 to %scan3A_33 step %scan3A_34  : i32 {
      %mul3A_37 = arith.constant 2 : i32
      %mul3A_38 = arith.muli %scan3A_36, %mul3A_37 : i32
      %add3A_39 = arith.constant 0 : i32
      %add3A_40 = arith.addi %mul3A_38, %add3A_39 : i32
      %mul3A_41 = arith.constant 1024 : i32
      %mul3A_42 = arith.muli %add3A_40, %mul3A_41 : i32
      %add3A_43 = arith.addi %sub3A_21, %mul3A_42 : i32
      %mul3A_44 = arith.constant 786432 : i32
      %mul3A_45 = arith.muli %select_n3A, %mul3A_44 : i32
      %jit3A_46 = arith.constant 512 : i32
      %div3A_47 = arith.divsi %add3A_43, %jit3A_46 : i32
      %sign3A_48 = arith.constant 0 : i32
      %sign3A_49 = arith.cmpi sgt, %add3A_43, %sign3A_48 : i32
      %sign3A_50 = arith.extui %sign3A_49 : i1 to i32
      %sign3A_51 = arith.constant 0 : i32
      %sign3A_52 = arith.cmpi slt, %add3A_43, %sign3A_51 : i32
      %sign3A_53 = arith.extui %sign3A_52 : i1 to i32
      %sign3A_54 = arith.subi %sign3A_50, %sign3A_53 : i32
      %sign3A_55 = arith.constant 0 : i32
      %sign3A_56 = arith.cmpi sgt, %jit3A_46, %sign3A_55 : i32
      %sign3A_57 = arith.extui %sign3A_56 : i1 to i32
      %sign3A_58 = arith.constant 0 : i32
      %sign3A_59 = arith.cmpi slt, %jit3A_46, %sign3A_58 : i32
      %sign3A_60 = arith.extui %sign3A_59 : i1 to i32
      %sign3A_61 = arith.subi %sign3A_57, %sign3A_60 : i32
      %ne3A_62 = arith.cmpi ne, %sign3A_54, %sign3A_61 : i32
      %rem3A_63 = arith.remsi %add3A_43, %jit3A_46 : i32
      %ne3A_64 = arith.constant 0 : i32
      %ne3A_65 = arith.cmpi ne, %rem3A_63, %ne3A_64 : i32
      %and3A_66 = arith.andi %ne3A_62, %ne3A_65 : i1
      %sub3A_67 = arith.constant 1 : i32
      %sub3A_68 = arith.subi %div3A_47, %sub3A_67 : i32
      %select_n3A_69 = arith.select %and3A_66, %sub3A_68, %div3A_47 : i32
      %mul3A_70 = arith.constant 1536 : i32
      %mul3A_71 = arith.muli %select_n3A_69, %mul3A_70 : i32
      %add3A_72 = arith.addi %mul3A_45, %mul3A_71 : i32
      "tpu.region"() ({
        %run_scoped3A_185 = tpu.sem_alloc : memref<!tpu.dma_semaphore, #tpu.memory_space<semaphore_mem>>
        %dma_start3A_186 = tpu.memref_slice %arg4[%add3A_72] : memref<3145728xf32, #tpu.memory_space<hbm>> -> memref<3072xf32, #tpu.memory_space<hbm>>
        %dma_start3A_187 = tpu.memref_slice %arg4[%add3A_72] : memref<3145728xf32, #tpu.memory_space<hbm>> -> memref<3072xf32, #tpu.memory_space<hbm>>
        tpu.enqueue_dma source(%dma_start3A_187 : memref<3072xf32, #tpu.memory_space<hbm>>) target(%arg10 : memref<3072xf32, #tpu.memory_space<vmem>>) target_semaphore(%run_scoped3A_185 : memref<!tpu.dma_semaphore, #tpu.memory_space<semaphore_mem>>)
        %dma_wait3A_188 = tpu.memref_slice %arg4[%add3A_72] : memref<3145728xf32, #tpu.memory_space<hbm>> -> memref<3072xf32, #tpu.memory_space<hbm>>
        %dma_wait3A_189 = tpu.memref_slice %arg4[%add3A_72] : memref<3145728xf32, #tpu.memory_space<hbm>> -> memref<3072xf32, #tpu.memory_space<hbm>>
        tpu.wait_dma2 semaphore(%run_scoped3A_185 : memref<!tpu.dma_semaphore, #tpu.memory_space<semaphore_mem>>) src(%dma_wait3A_189 : memref<3072xf32, #tpu.memory_space<hbm>>) dst(%arg10 : memref<3072xf32, #tpu.memory_space<vmem>>)
        tpu.yield
      }) : () -> ()
      %dma_wait3A = arith.constant 0 : i32
      %dma_wait3A_73 = arith.constant 0 : i32
      %dma_wait3A_74 = tpu.memref_slice %arg2[%dma_wait3A, %dma_wait3A_73] : memref<200704x24xf32, #tpu.memory_space<hbm>> -> memref<200704x24xf32, #tpu.memory_space<hbm>>
      tpu.wait_indirect_dma semaphore(%arg12 : memref<!tpu.dma_semaphore, #tpu.memory_space<semaphore_mem>>) src(%dma_wait3A_74 : memref<200704x24xf32, #tpu.memory_space<hbm>>) dst(%arg8 : memref<1024x24xf32, #tpu.memory_space<vmem>>)
      %iota3A = tpu.iota {dimensions = array<i32: 0>} : vector<16xi32>
      %scan3A_75 = arith.constant 0 : i32
      %scan3A_76 = arith.constant 64 : i32
      %scan3A_77 = arith.addi %scan3A_75, %scan3A_76 : i32
      %scan3A_78 = arith.constant 1 : i32
      %scan3A_79 = scf.for %scan3A_185 = %scan3A_75 to %scan3A_77 step %scan3A_78 iter_args(%scan3A_186 = %iota3A) -> (vector<16xi32>)  : i32 {
        %shift_right_arithmetic3A = arith.constant 5 : i32
        %shift_right_arithmetic3A_187 = arith.shrsi %scan3A_185, %shift_right_arithmetic3A : i32
        %mul3A_188 = arith.constant 1536 : i32
        %mul3A_189 = arith.muli %shift_right_arithmetic3A_187, %mul3A_188 : i32
        %and3A_190 = arith.constant 31 : i32
        %and3A_191 = arith.andi %scan3A_185, %and3A_190 : i32
        %mul3A_192 = arith.constant 16 : i32
        %mul3A_193 = arith.muli %and3A_191, %mul3A_192 : i32
        %add3A_194 = arith.addi %mul3A_189, %mul3A_193 : i32
        %get3A = arith.index_cast %add3A_194 : i32 to index
        %get3A_195 = tpu.vector_load %arg10[%get3A] {strides = array<i32>} : memref<3072xf32, #tpu.memory_space<vmem>>, vector<16xf32>,
        %add3A_196 = arith.constant 512 : i32
        %add3A_197 = arith.addi %add3A_194, %add3A_196 : i32
        %get3A_198 = arith.index_cast %add3A_197 : i32 to index
        %get3A_199 = tpu.vector_load %arg10[%get3A_198] {strides = array<i32>} : memref<3072xf32, #tpu.memory_space<vmem>>, vector<16xf32>,
        %add3A_200 = arith.constant 1024 : i32
        %add3A_201 = arith.addi %add3A_194, %add3A_200 : i32
        %get3A_202 = arith.index_cast %add3A_201 : i32 to index
        %get3A_203 = tpu.vector_load %arg10[%get3A_202] {strides = array<i32>} : memref<3072xf32, #tpu.memory_space<vmem>>, vector<16xf32>,
        %mul3A_204 = arith.constant 16 : i32
        %mul3A_205 = arith.muli %scan3A_185, %mul3A_204 : i32
        %broadcast_in_dim3A = arith.constant 0 : i32
        %broadcast_in_dim3A_206 = vector.broadcast %broadcast_in_dim3A : i32 to vector<16xi32>
        %gather3A = tpu.vector_load_idx %arg8[%scan3A_186, %broadcast_in_dim3A_206] : memref<1024x24xf32, #tpu.memory_space<vmem>>[vector<16xi32>, vector<16xi32>], vector<16xf32>,
        %mul3A_207 = arith.mulf %get3A_195, %gather3A : vector<16xf32>
        %broadcast_in_dim3A_208 = arith.constant 8 : i32
        %broadcast_in_dim3A_209 = vector.broadcast %broadcast_in_dim3A_208 : i32 to vector<16xi32>
        %gather3A_210 = tpu.vector_load_idx %arg8[%scan3A_186, %broadcast_in_dim3A_209] : memref<1024x24xf32, #tpu.memory_space<vmem>>[vector<16xi32>, vector<16xi32>], vector<16xf32>,
        %mul3A_211 = arith.mulf %get3A_199, %gather3A_210 : vector<16xf32>
        %add3A_212 = arith.addf %mul3A_207, %mul3A_211 : vector<16xf32>
        %broadcast_in_dim3A_213 = arith.constant 16 : i32
        %broadcast_in_dim3A_214 = vector.broadcast %broadcast_in_dim3A_213 : i32 to vector<16xi32>
        %gather3A_215 = tpu.vector_load_idx %arg8[%scan3A_186, %broadcast_in_dim3A_214] : memref<1024x24xf32, #tpu.memory_space<vmem>>[vector<16xi32>, vector<16xi32>], vector<16xf32>,
        %mul3A_216 = arith.mulf %get3A_203, %gather3A_215 : vector<16xf32>
        %add3A_217 = arith.addf %add3A_212, %mul3A_216 : vector<16xf32>
        %swap3A = arith.constant 0 : i32
        %swap3A_218 = arith.index_cast %swap3A : i32 to index
        %swap3A_219 = arith.index_cast %mul3A_205 : i32 to index
        %swap3A_220 = tpu.vector_load %arg11[%swap3A_218, %swap3A_219] {strides = array<i32>} : memref<3x1024xf32, #tpu.memory_space<vmem>>, vector<16xf32>,
        tpu.vector_store %arg11[%swap3A_218, %swap3A_219], %add3A_217 {strides = array<i32>} : memref<3x1024xf32, #tpu.memory_space<vmem>>, vector<16xf32>,
        %broadcast_in_dim3A_221 = arith.constant 1 : i32
        %broadcast_in_dim3A_222 = vector.broadcast %broadcast_in_dim3A_221 : i32 to vector<16xi32>
        %gather3A_223 = tpu.vector_load_idx %arg8[%scan3A_186, %broadcast_in_dim3A_222] : memref<1024x24xf32, #tpu.memory_space<vmem>>[vector<16xi32>, vector<16xi32>], vector<16xf32>,
        %mul3A_224 = arith.mulf %get3A_195, %gather3A_223 : vector<16xf32>
        %broadcast_in_dim3A_225 = arith.constant 9 : i32
        %broadcast_in_dim3A_226 = vector.broadcast %broadcast_in_dim3A_225 : i32 to vector<16xi32>
        %gather3A_227 = tpu.vector_load_idx %arg8[%scan3A_186, %broadcast_in_dim3A_226] : memref<1024x24xf32, #tpu.memory_space<vmem>>[vector<16xi32>, vector<16xi32>], vector<16xf32>,
        %mul3A_228 = arith.mulf %get3A_199, %gather3A_227 : vector<16xf32>
        %add3A_229 = arith.addf %mul3A_224, %mul3A_228 : vector<16xf32>
        %broadcast_in_dim3A_230 = arith.constant 17 : i32
        %broadcast_in_dim3A_231 = vector.broadcast %broadcast_in_dim3A_230 : i32 to vector<16xi32>
        %gather3A_232 = tpu.vector_load_idx %arg8[%scan3A_186, %broadcast_in_dim3A_231] : memref<1024x24xf32, #tpu.memory_space<vmem>>[vector<16xi32>, vector<16xi32>], vector<16xf32>,
        %mul3A_233 = arith.mulf %get3A_203, %gather3A_232 : vector<16xf32>
        %add3A_234 = arith.addf %add3A_229, %mul3A_233 : vector<16xf32>
        %swap3A_235 = arith.constant 1 : i32
        %swap3A_236 = arith.index_cast %swap3A_235 : i32 to index
        %swap3A_237 = arith.index_cast %mul3A_205 : i32 to index
        %swap3A_238 = tpu.vector_load %arg11[%swap3A_236, %swap3A_237] {strides = array<i32>} : memref<3x1024xf32, #tpu.memory_space<vmem>>, vector<16xf32>,
        tpu.vector_store %arg11[%swap3A_236, %swap3A_237], %add3A_234 {strides = array<i32>} : memref<3x1024xf32, #tpu.memory_space<vmem>>, vector<16xf32>,
        %broadcast_in_dim3A_239 = arith.constant 2 : i32
        %broadcast_in_dim3A_240 = vector.broadcast %broadcast_in_dim3A_239 : i32 to vector<16xi32>
        %gather3A_241 = tpu.vector_load_idx %arg8[%scan3A_186, %broadcast_in_dim3A_240] : memref<1024x24xf32, #tpu.memory_space<vmem>>[vector<16xi32>, vector<16xi32>], vector<16xf32>,
        %mul3A_242 = arith.mulf %get3A_195, %gather3A_241 : vector<16xf32>
        %broadcast_in_dim3A_243 = arith.constant 10 : i32
        %broadcast_in_dim3A_244 = vector.broadcast %broadcast_in_dim3A_243 : i32 to vector<16xi32>
        %gather3A_245 = tpu.vector_load_idx %arg8[%scan3A_186, %broadcast_in_dim3A_244] : memref<1024x24xf32, #tpu.memory_space<vmem>>[vector<16xi32>, vector<16xi32>], vector<16xf32>,
        %mul3A_246 = arith.mulf %get3A_199, %gather3A_245 : vector<16xf32>
        %add3A_247 = arith.addf %mul3A_242, %mul3A_246 : vector<16xf32>
        %broadcast_in_dim3A_248 = arith.constant 18 : i32
        %broadcast_in_dim3A_249 = vector.broadcast %broadcast_in_dim3A_248 : i32 to vector<16xi32>
        %gather3A_250 = tpu.vector_load_idx %arg8[%scan3A_186, %broadcast_in_dim3A_249] : memref<1024x24xf32, #tpu.memory_space<vmem>>[vector<16xi32>, vector<16xi32>], vector<16xf32>,
        %mul3A_251 = arith.mulf %get3A_203, %gather3A_250 : vector<16xf32>
        %add3A_252 = arith.addf %add3A_247, %mul3A_251 : vector<16xf32>
        %swap3A_253 = arith.constant 2 : i32
        %swap3A_254 = arith.index_cast %swap3A_253 : i32 to index
        %swap3A_255 = arith.index_cast %mul3A_205 : i32 to index
        %swap3A_256 = tpu.vector_load %arg11[%swap3A_254, %swap3A_255] {strides = array<i32>} : memref<3x1024xf32, #tpu.memory_space<vmem>>, vector<16xf32>,
        tpu.vector_store %arg11[%swap3A_254, %swap3A_255], %add3A_252 {strides = array<i32>} : memref<3x1024xf32, #tpu.memory_space<vmem>>, vector<16xf32>,
        %add3A_257 = arith.constant 16 : i32
        %add3A_258 = vector.broadcast %add3A_257 : i32 to vector<16xi32>
        %add3A_259 = arith.addi %scan3A_186, %add3A_258 : vector<16xi32>
        scf.yield %add3A_259 : vector<16xi32>
      }
      %scan3A_80 = arith.constant 64 : i32
      %mul3A_81 = arith.constant 3 : i32
      %mul3A_82 = arith.muli %select_n3A, %mul3A_81 : i32
      %add3A_83 = arith.constant 0 : i32
      %add3A_84 = arith.addi %mul3A_82, %add3A_83 : i32
      %mul3A_85 = arith.constant 262144 : i32
      %mul3A_86 = arith.muli %add3A_84, %mul3A_85 : i32
      %add3A_87 = arith.addi %mul3A_86, %add3A_43 : i32
      %run_scoped3A = arith.constant 0 : i32
      "tpu.region"() ({
        %run_scoped3A_185 = tpu.sem_alloc : memref<!tpu.dma_semaphore, #tpu.memory_space<semaphore_mem>>
        %dma_start3A_186 = arith.constant 0 : i32
        %dma_start3A_187 = tpu.memref_slice %arg11[%run_scoped3A, %dma_start3A_186] : memref<3x1024xf32, #tpu.memory_space<vmem>> -> memref<1x1024xf32, #tpu.memory_space<vmem>>
        %dma_start3A_188 = tpu.memref_squeeze %dma_start3A_187 : memref<1x1024xf32, #tpu.memory_space<vmem>> -> memref<1024xf32, #tpu.memory_space<vmem>>
        %dma_start3A_189 = tpu.memref_slice %arg5[%add3A_87] : memref<3145728xf32, #tpu.memory_space<hbm>> -> memref<1024xf32, #tpu.memory_space<hbm>>
        %dma_start3A_190 = tpu.memref_slice %arg5[%add3A_87] : memref<3145728xf32, #tpu.memory_space<hbm>> -> memref<1024xf32, #tpu.memory_space<hbm>>
        %dma_start3A_191 = arith.constant 0 : i32
        %dma_start3A_192 = tpu.memref_slice %arg11[%run_scoped3A, %dma_start3A_191] : memref<3x1024xf32, #tpu.memory_space<vmem>> -> memref<1x1024xf32, #tpu.memory_space<vmem>>
        %dma_start3A_193 = tpu.memref_squeeze %dma_start3A_192 : memref<1x1024xf32, #tpu.memory_space<vmem>> -> memref<1024xf32, #tpu.memory_space<vmem>>
        tpu.enqueue_dma source(%dma_start3A_193 : memref<1024xf32, #tpu.memory_space<vmem>>) target(%dma_start3A_190 : memref<1024xf32, #tpu.memory_space<hbm>>) target_semaphore(%run_scoped3A_185 : memref<!tpu.dma_semaphore, #tpu.memory_space<semaphore_mem>>)
        %dma_wait3A_194 = arith.constant 0 : i32
        %dma_wait3A_195 = tpu.memref_slice %arg11[%run_scoped3A, %dma_wait3A_194] : memref<3x1024xf32, #tpu.memory_space<vmem>> -> memref<1x1024xf32, #tpu.memory_space<vmem>>
        %dma_wait3A_196 = tpu.memref_squeeze %dma_wait3A_195 : memref<1x1024xf32, #tpu.memory_space<vmem>> -> memref<1024xf32, #tpu.memory_space<vmem>>
        %dma_wait3A_197 = tpu.memref_slice %arg5[%add3A_87] : memref<3145728xf32, #tpu.memory_space<hbm>> -> memref<1024xf32, #tpu.memory_space<hbm>>
        %dma_wait3A_198 = tpu.memref_slice %arg5[%add3A_87] : memref<3145728xf32, #tpu.memory_space<hbm>> -> memref<1024xf32, #tpu.memory_space<hbm>>
        %dma_wait3A_199 = arith.constant 0 : i32
        %dma_wait3A_200 = tpu.memref_slice %arg11[%run_scoped3A, %dma_wait3A_199] : memref<3x1024xf32, #tpu.memory_space<vmem>> -> memref<1x1024xf32, #tpu.memory_space<vmem>>
        %dma_wait3A_201 = tpu.memref_squeeze %dma_wait3A_200 : memref<1x1024xf32, #tpu.memory_space<vmem>> -> memref<1024xf32, #tpu.memory_space<vmem>>
        tpu.wait_dma2 semaphore(%run_scoped3A_185 : memref<!tpu.dma_semaphore, #tpu.memory_space<semaphore_mem>>) src(%dma_wait3A_201 : memref<1024xf32, #tpu.memory_space<vmem>>) dst(%dma_wait3A_198 : memref<1024xf32, #tpu.memory_space<hbm>>)
        tpu.yield
      }) : () -> ()
      %mul3A_88 = arith.constant 3 : i32
      %mul3A_89 = arith.muli %select_n3A, %mul3A_88 : i32
      %add3A_90 = arith.constant 1 : i32
      %add3A_91 = arith.addi %mul3A_89, %add3A_90 : i32
      %mul3A_92 = arith.constant 262144 : i32
      %mul3A_93 = arith.muli %add3A_91, %mul3A_92 : i32
      %add3A_94 = arith.addi %mul3A_93, %add3A_43 : i32
      %run_scoped3A_95 = arith.constant 1 : i32
      "tpu.region"() ({
        %run_scoped3A_185 = tpu.sem_alloc : memref<!tpu.dma_semaphore, #tpu.memory_space<semaphore_mem>>
        %dma_start3A_186 = arith.constant 0 : i32
        %dma_start3A_187 = tpu.memref_slice %arg11[%run_scoped3A_95, %dma_start3A_186] : memref<3x1024xf32, #tpu.memory_space<vmem>> -> memref<1x1024xf32, #tpu.memory_space<vmem>>
        %dma_start3A_188 = tpu.memref_squeeze %dma_start3A_187 : memref<1x1024xf32, #tpu.memory_space<vmem>> -> memref<1024xf32, #tpu.memory_space<vmem>>
        %dma_start3A_189 = tpu.memref_slice %arg5[%add3A_94] : memref<3145728xf32, #tpu.memory_space<hbm>> -> memref<1024xf32, #tpu.memory_space<hbm>>
        %dma_start3A_190 = tpu.memref_slice %arg5[%add3A_94] : memref<3145728xf32, #tpu.memory_space<hbm>> -> memref<1024xf32, #tpu.memory_space<hbm>>
        %dma_start3A_191 = arith.constant 0 : i32
        %dma_start3A_192 = tpu.memref_slice %arg11[%run_scoped3A_95, %dma_start3A_191] : memref<3x1024xf32, #tpu.memory_space<vmem>> -> memref<1x1024xf32, #tpu.memory_space<vmem>>
        %dma_start3A_193 = tpu.memref_squeeze %dma_start3A_192 : memref<1x1024xf32, #tpu.memory_space<vmem>> -> memref<1024xf32, #tpu.memory_space<vmem>>
        tpu.enqueue_dma source(%dma_start3A_193 : memref<1024xf32, #tpu.memory_space<vmem>>) target(%dma_start3A_190 : memref<1024xf32, #tpu.memory_space<hbm>>) target_semaphore(%run_scoped3A_185 : memref<!tpu.dma_semaphore, #tpu.memory_space<semaphore_mem>>)
        %dma_wait3A_194 = arith.constant 0 : i32
        %dma_wait3A_195 = tpu.memref_slice %arg11[%run_scoped3A_95, %dma_wait3A_194] : memref<3x1024xf32, #tpu.memory_space<vmem>> -> memref<1x1024xf32, #tpu.memory_space<vmem>>
        %dma_wait3A_196 = tpu.memref_squeeze %dma_wait3A_195 : memref<1x1024xf32, #tpu.memory_space<vmem>> -> memref<1024xf32, #tpu.memory_space<vmem>>
        %dma_wait3A_197 = tpu.memref_slice %arg5[%add3A_94] : memref<3145728xf32, #tpu.memory_space<hbm>> -> memref<1024xf32, #tpu.memory_space<hbm>>
        %dma_wait3A_198 = tpu.memref_slice %arg5[%add3A_94] : memref<3145728xf32, #tpu.memory_space<hbm>> -> memref<1024xf32, #tpu.memory_space<hbm>>
        %dma_wait3A_199 = arith.constant 0 : i32
        %dma_wait3A_200 = tpu.memref_slice %arg11[%run_scoped3A_95, %dma_wait3A_199] : memref<3x1024xf32, #tpu.memory_space<vmem>> -> memref<1x1024xf32, #tpu.memory_space<vmem>>
        %dma_wait3A_201 = tpu.memref_squeeze %dma_wait3A_200 : memref<1x1024xf32, #tpu.memory_space<vmem>> -> memref<1024xf32, #tpu.memory_space<vmem>>
        tpu.wait_dma2 semaphore(%run_scoped3A_185 : memref<!tpu.dma_semaphore, #tpu.memory_space<semaphore_mem>>) src(%dma_wait3A_201 : memref<1024xf32, #tpu.memory_space<vmem>>) dst(%dma_wait3A_198 : memref<1024xf32, #tpu.memory_space<hbm>>)
        tpu.yield
      }) : () -> ()
      %mul3A_96 = arith.constant 3 : i32
      %mul3A_97 = arith.muli %select_n3A, %mul3A_96 : i32
      %add3A_98 = arith.constant 2 : i32
      %add3A_99 = arith.addi %mul3A_97, %add3A_98 : i32
      %mul3A_100 = arith.constant 262144 : i32
      %mul3A_101 = arith.muli %add3A_99, %mul3A_100 : i32
      %add3A_102 = arith.addi %mul3A_101, %add3A_43 : i32
      %run_scoped3A_103 = arith.constant 2 : i32
      "tpu.region"() ({
        %run_scoped3A_185 = tpu.sem_alloc : memref<!tpu.dma_semaphore, #tpu.memory_space<semaphore_mem>>
        %dma_start3A_186 = arith.constant 0 : i32
        %dma_start3A_187 = tpu.memref_slice %arg11[%run_scoped3A_103, %dma_start3A_186] : memref<3x1024xf32, #tpu.memory_space<vmem>> -> memref<1x1024xf32, #tpu.memory_space<vmem>>
        %dma_start3A_188 = tpu.memref_squeeze %dma_start3A_187 : memref<1x1024xf32, #tpu.memory_space<vmem>> -> memref<1024xf32, #tpu.memory_space<vmem>>
        %dma_start3A_189 = tpu.memref_slice %arg5[%add3A_102] : memref<3145728xf32, #tpu.memory_space<hbm>> -> memref<1024xf32, #tpu.memory_space<hbm>>
        %dma_start3A_190 = tpu.memref_slice %arg5[%add3A_102] : memref<3145728xf32, #tpu.memory_space<hbm>> -> memref<1024xf32, #tpu.memory_space<hbm>>
        %dma_start3A_191 = arith.constant 0 : i32
        %dma_start3A_192 = tpu.memref_slice %arg11[%run_scoped3A_103, %dma_start3A_191] : memref<3x1024xf32, #tpu.memory_space<vmem>> -> memref<1x1024xf32, #tpu.memory_space<vmem>>
        %dma_start3A_193 = tpu.memref_squeeze %dma_start3A_192 : memref<1x1024xf32, #tpu.memory_space<vmem>> -> memref<1024xf32, #tpu.memory_space<vmem>>
        tpu.enqueue_dma source(%dma_start3A_193 : memref<1024xf32, #tpu.memory_space<vmem>>) target(%dma_start3A_190 : memref<1024xf32, #tpu.memory_space<hbm>>) target_semaphore(%run_scoped3A_185 : memref<!tpu.dma_semaphore, #tpu.memory_space<semaphore_mem>>)
        %dma_wait3A_194 = arith.constant 0 : i32
        %dma_wait3A_195 = tpu.memref_slice %arg11[%run_scoped3A_103, %dma_wait3A_194] : memref<3x1024xf32, #tpu.memory_space<vmem>> -> memref<1x1024xf32, #tpu.memory_space<vmem>>
        %dma_wait3A_196 = tpu.memref_squeeze %dma_wait3A_195 : memref<1x1024xf32, #tpu.memory_space<vmem>> -> memref<1024xf32, #tpu.memory_space<vmem>>
        %dma_wait3A_197 = tpu.memref_slice %arg5[%add3A_102] : memref<3145728xf32, #tpu.memory_space<hbm>> -> memref<1024xf32, #tpu.memory_space<hbm>>
        %dma_wait3A_198 = tpu.memref_slice %arg5[%add3A_102] : memref<3145728xf32, #tpu.memory_space<hbm>> -> memref<1024xf32, #tpu.memory_space<hbm>>
        %dma_wait3A_199 = arith.constant 0 : i32
        %dma_wait3A_200 = tpu.memref_slice %arg11[%run_scoped3A_103, %dma_wait3A_199] : memref<3x1024xf32, #tpu.memory_space<vmem>> -> memref<1x1024xf32, #tpu.memory_space<vmem>>
        %dma_wait3A_201 = tpu.memref_squeeze %dma_wait3A_200 : memref<1x1024xf32, #tpu.memory_space<vmem>> -> memref<1024xf32, #tpu.memory_space<vmem>>
        tpu.wait_dma2 semaphore(%run_scoped3A_185 : memref<!tpu.dma_semaphore, #tpu.memory_space<semaphore_mem>>) src(%dma_wait3A_201 : memref<1024xf32, #tpu.memory_space<vmem>>) dst(%dma_wait3A_198 : memref<1024xf32, #tpu.memory_space<hbm>>)
        tpu.yield
      }) : () -> ()
      %add3A_104 = arith.constant 2 : i32
      %add3A_105 = arith.addi %add3A_40, %add3A_104 : i32
      %lt3A = arith.constant 32 : i32
      %lt3A_106 = arith.cmpi slt, %add3A_105, %lt3A : i32
      %convert_element_type3A = arith.extui %lt3A_106 : i1 to i32
      %cond3A = arith.constant 0 : i32
      %cond3A_107 = arith.cmpi ne, %convert_element_type3A, %cond3A : i32
      scf.if %cond3A_107 {
        %add3A_185 = arith.constant 2 : i32
        %add3A_186 = arith.addi %add3A_40, %add3A_185 : i32
        %mul3A_187 = arith.constant 1024 : i32
        %mul3A_188 = arith.muli %add3A_186, %mul3A_187 : i32
        %add3A_189 = arith.addi %mul3A_2, %mul3A_188 : i32
        "tpu.region"() ({
          %run_scoped3A_193 = tpu.sem_alloc : memref<!tpu.dma_semaphore, #tpu.memory_space<semaphore_mem>>
          %dma_start3A_194 = tpu.memref_slice %arg3[%add3A_189] : memref<1048576xi32, #tpu.memory_space<hbm>> -> memref<1024xi32, #tpu.memory_space<hbm>>
          %dma_start3A_195 = tpu.memref_slice %arg3[%add3A_189] : memref<1048576xi32, #tpu.memory_space<hbm>> -> memref<1024xi32, #tpu.memory_space<hbm>>
          tpu.enqueue_dma source(%dma_start3A_195 : memref<1024xi32, #tpu.memory_space<hbm>>) target(%arg6 : memref<1024xi32, #tpu.memory_space<vmem>>) target_semaphore(%run_scoped3A_193 : memref<!tpu.dma_semaphore, #tpu.memory_space<semaphore_mem>>)
          %dma_wait3A_196 = tpu.memref_slice %arg3[%add3A_189] : memref<1048576xi32, #tpu.memory_space<hbm>> -> memref<1024xi32, #tpu.memory_space<hbm>>
          %dma_wait3A_197 = tpu.memref_slice %arg3[%add3A_189] : memref<1048576xi32, #tpu.memory_space<hbm>> -> memref<1024xi32, #tpu.memory_space<hbm>>
          tpu.wait_dma2 semaphore(%run_scoped3A_193 : memref<!tpu.dma_semaphore, #tpu.memory_space<semaphore_mem>>) src(%dma_wait3A_197 : memref<1024xi32, #tpu.memory_space<hbm>>) dst(%arg6 : memref<1024xi32, #tpu.memory_space<vmem>>)
          tpu.yield
        }) : () -> ()
        %dma_start3A_190 = arith.constant 0 : i32
        %dma_start3A_191 = arith.constant 0 : i32
        %dma_start3A_192 = tpu.memref_slice %arg2[%dma_start3A_190, %dma_start3A_191] : memref<200704x24xf32, #tpu.memory_space<hbm>> -> memref<200704x24xf32, #tpu.memory_space<hbm>>
        tpu.enqueue_indirect_dma source(%dma_start3A_192 : memref<200704x24xf32, #tpu.memory_space<hbm>>) target(%arg8 : memref<1024x24xf32, #tpu.memory_space<vmem>>) offsets(%arg6 : memref<1024xi32, #tpu.memory_space<vmem>>) semaphore(%arg12 : memref<!tpu.dma_semaphore, #tpu.memory_space<semaphore_mem>>)
      } else {
      }
      %mul3A_108 = arith.constant 2 : i32
      %mul3A_109 = arith.muli %scan3A_36, %mul3A_108 : i32
      %add3A_110 = arith.constant 1 : i32
      %add3A_111 = arith.addi %mul3A_109, %add3A_110 : i32
      %mul3A_112 = arith.constant 1024 : i32
      %mul3A_113 = arith.muli %add3A_111, %mul3A_112 : i32
      %add3A_114 = arith.addi %sub3A_21, %mul3A_113 : i32
      %mul3A_115 = arith.constant 786432 : i32
      %mul3A_116 = arith.muli %select_n3A, %mul3A_115 : i32
      %jit3A_117 = arith.constant 512 : i32
      %div3A_118 = arith.divsi %add3A_114, %jit3A_117 : i32
      %sign3A_119 = arith.constant 0 : i32
      %sign3A_120 = arith.cmpi sgt, %add3A_114, %sign3A_119 : i32
      %sign3A_121 = arith.extui %sign3A_120 : i1 to i32
      %sign3A_122 = arith.constant 0 : i32
      %sign3A_123 = arith.cmpi slt, %add3A_114, %sign3A_122 : i32
      %sign3A_124 = arith.extui %sign3A_123 : i1 to i32
      %sign3A_125 = arith.subi %sign3A_121, %sign3A_124 : i32
      %sign3A_126 = arith.constant 0 : i32
      %sign3A_127 = arith.cmpi sgt, %jit3A_117, %sign3A_126 : i32
      %sign3A_128 = arith.extui %sign3A_127 : i1 to i32
      %sign3A_129 = arith.constant 0 : i32
      %sign3A_130 = arith.cmpi slt, %jit3A_117, %sign3A_129 : i32
      %sign3A_131 = arith.extui %sign3A_130 : i1 to i32
      %sign3A_132 = arith.subi %sign3A_128, %sign3A_131 : i32
      %ne3A_133 = arith.cmpi ne, %sign3A_125, %sign3A_132 : i32
      %rem3A_134 = arith.remsi %add3A_114, %jit3A_117 : i32
      %ne3A_135 = arith.constant 0 : i32
      %ne3A_136 = arith.cmpi ne, %rem3A_134, %ne3A_135 : i32
      %and3A_137 = arith.andi %ne3A_133, %ne3A_136 : i1
      %sub3A_138 = arith.constant 1 : i32
      %sub3A_139 = arith.subi %div3A_118, %sub3A_138 : i32
      %select_n3A_140 = arith.select %and3A_137, %sub3A_139, %div3A_118 : i32
      %mul3A_141 = arith.constant 1536 : i32
      %mul3A_142 = arith.muli %select_n3A_140, %mul3A_141 : i32
      %add3A_143 = arith.addi %mul3A_116, %mul3A_142 : i32
      "tpu.region"() ({
        %run_scoped3A_185 = tpu.sem_alloc : memref<!tpu.dma_semaphore, #tpu.memory_space<semaphore_mem>>
        %dma_start3A_186 = tpu.memref_slice %arg4[%add3A_143] : memref<3145728xf32, #tpu.memory_space<hbm>> -> memref<3072xf32, #tpu.memory_space<hbm>>
        %dma_start3A_187 = tpu.memref_slice %arg4[%add3A_143] : memref<3145728xf32, #tpu.memory_space<hbm>> -> memref<3072xf32, #tpu.memory_space<hbm>>
        tpu.enqueue_dma source(%dma_start3A_187 : memref<3072xf32, #tpu.memory_space<hbm>>) target(%arg10 : memref<3072xf32, #tpu.memory_space<vmem>>) target_semaphore(%run_scoped3A_185 : memref<!tpu.dma_semaphore, #tpu.memory_space<semaphore_mem>>)
        %dma_wait3A_188 = tpu.memref_slice %arg4[%add3A_143] : memref<3145728xf32, #tpu.memory_space<hbm>> -> memref<3072xf32, #tpu.memory_space<hbm>>
        %dma_wait3A_189 = tpu.memref_slice %arg4[%add3A_143] : memref<3145728xf32, #tpu.memory_space<hbm>> -> memref<3072xf32, #tpu.memory_space<hbm>>
        tpu.wait_dma2 semaphore(%run_scoped3A_185 : memref<!tpu.dma_semaphore, #tpu.memory_space<semaphore_mem>>) src(%dma_wait3A_189 : memref<3072xf32, #tpu.memory_space<hbm>>) dst(%arg10 : memref<3072xf32, #tpu.memory_space<vmem>>)
        tpu.yield
      }) : () -> ()
      %dma_wait3A_144 = arith.constant 0 : i32
      %dma_wait3A_145 = arith.constant 0 : i32
      %dma_wait3A_146 = tpu.memref_slice %arg2[%dma_wait3A_144, %dma_wait3A_145] : memref<200704x24xf32, #tpu.memory_space<hbm>> -> memref<200704x24xf32, #tpu.memory_space<hbm>>
      tpu.wait_indirect_dma semaphore(%arg13 : memref<!tpu.dma_semaphore, #tpu.memory_space<semaphore_mem>>) src(%dma_wait3A_146 : memref<200704x24xf32, #tpu.memory_space<hbm>>) dst(%arg9 : memref<1024x24xf32, #tpu.memory_space<vmem>>)
      %iota3A_147 = tpu.iota {dimensions = array<i32: 0>} : vector<16xi32>
      %scan3A_148 = arith.constant 0 : i32
      %scan3A_149 = arith.constant 64 : i32
      %scan3A_150 = arith.addi %scan3A_148, %scan3A_149 : i32
      %scan3A_151 = arith.constant 1 : i32
      %scan3A_152 = scf.for %scan3A_185 = %scan3A_148 to %scan3A_150 step %scan3A_151 iter_args(%scan3A_186 = %iota3A_147) -> (vector<16xi32>)  : i32 {
        %shift_right_arithmetic3A = arith.constant 5 : i32
        %shift_right_arithmetic3A_187 = arith.shrsi %scan3A_185, %shift_right_arithmetic3A : i32
        %mul3A_188 = arith.constant 1536 : i32
        %mul3A_189 = arith.muli %shift_right_arithmetic3A_187, %mul3A_188 : i32
        %and3A_190 = arith.constant 31 : i32
        %and3A_191 = arith.andi %scan3A_185, %and3A_190 : i32
        %mul3A_192 = arith.constant 16 : i32
        %mul3A_193 = arith.muli %and3A_191, %mul3A_192 : i32
        %add3A_194 = arith.addi %mul3A_189, %mul3A_193 : i32
        %get3A = arith.index_cast %add3A_194 : i32 to index
        %get3A_195 = tpu.vector_load %arg10[%get3A] {strides = array<i32>} : memref<3072xf32, #tpu.memory_space<vmem>>, vector<16xf32>,
        %add3A_196 = arith.constant 512 : i32
        %add3A_197 = arith.addi %add3A_194, %add3A_196 : i32
        %get3A_198 = arith.index_cast %add3A_197 : i32 to index
        %get3A_199 = tpu.vector_load %arg10[%get3A_198] {strides = array<i32>} : memref<3072xf32, #tpu.memory_space<vmem>>, vector<16xf32>,
        %add3A_200 = arith.constant 1024 : i32
        %add3A_201 = arith.addi %add3A_194, %add3A_200 : i32
        %get3A_202 = arith.index_cast %add3A_201 : i32 to index
        %get3A_203 = tpu.vector_load %arg10[%get3A_202] {strides = array<i32>} : memref<3072xf32, #tpu.memory_space<vmem>>, vector<16xf32>,
        %mul3A_204 = arith.constant 16 : i32
        %mul3A_205 = arith.muli %scan3A_185, %mul3A_204 : i32
        %broadcast_in_dim3A = arith.constant 0 : i32
        %broadcast_in_dim3A_206 = vector.broadcast %broadcast_in_dim3A : i32 to vector<16xi32>
        %gather3A = tpu.vector_load_idx %arg9[%scan3A_186, %broadcast_in_dim3A_206] : memref<1024x24xf32, #tpu.memory_space<vmem>>[vector<16xi32>, vector<16xi32>], vector<16xf32>,
        %mul3A_207 = arith.mulf %get3A_195, %gather3A : vector<16xf32>
        %broadcast_in_dim3A_208 = arith.constant 8 : i32
        %broadcast_in_dim3A_209 = vector.broadcast %broadcast_in_dim3A_208 : i32 to vector<16xi32>
        %gather3A_210 = tpu.vector_load_idx %arg9[%scan3A_186, %broadcast_in_dim3A_209] : memref<1024x24xf32, #tpu.memory_space<vmem>>[vector<16xi32>, vector<16xi32>], vector<16xf32>,
        %mul3A_211 = arith.mulf %get3A_199, %gather3A_210 : vector<16xf32>
        %add3A_212 = arith.addf %mul3A_207, %mul3A_211 : vector<16xf32>
        %broadcast_in_dim3A_213 = arith.constant 16 : i32
        %broadcast_in_dim3A_214 = vector.broadcast %broadcast_in_dim3A_213 : i32 to vector<16xi32>
        %gather3A_215 = tpu.vector_load_idx %arg9[%scan3A_186, %broadcast_in_dim3A_214] : memref<1024x24xf32, #tpu.memory_space<vmem>>[vector<16xi32>, vector<16xi32>], vector<16xf32>,
        %mul3A_216 = arith.mulf %get3A_203, %gather3A_215 : vector<16xf32>
        %add3A_217 = arith.addf %add3A_212, %mul3A_216 : vector<16xf32>
        %swap3A = arith.constant 0 : i32
        %swap3A_218 = arith.index_cast %swap3A : i32 to index
        %swap3A_219 = arith.index_cast %mul3A_205 : i32 to index
        %swap3A_220 = tpu.vector_load %arg11[%swap3A_218, %swap3A_219] {strides = array<i32>} : memref<3x1024xf32, #tpu.memory_space<vmem>>, vector<16xf32>,
        tpu.vector_store %arg11[%swap3A_218, %swap3A_219], %add3A_217 {strides = array<i32>} : memref<3x1024xf32, #tpu.memory_space<vmem>>, vector<16xf32>,
        %broadcast_in_dim3A_221 = arith.constant 1 : i32
        %broadcast_in_dim3A_222 = vector.broadcast %broadcast_in_dim3A_221 : i32 to vector<16xi32>
        %gather3A_223 = tpu.vector_load_idx %arg9[%scan3A_186, %broadcast_in_dim3A_222] : memref<1024x24xf32, #tpu.memory_space<vmem>>[vector<16xi32>, vector<16xi32>], vector<16xf32>,
        %mul3A_224 = arith.mulf %get3A_195, %gather3A_223 : vector<16xf32>
        %broadcast_in_dim3A_225 = arith.constant 9 : i32
        %broadcast_in_dim3A_226 = vector.broadcast %broadcast_in_dim3A_225 : i32 to vector<16xi32>
        %gather3A_227 = tpu.vector_load_idx %arg9[%scan3A_186, %broadcast_in_dim3A_226] : memref<1024x24xf32, #tpu.memory_space<vmem>>[vector<16xi32>, vector<16xi32>], vector<16xf32>,
        %mul3A_228 = arith.mulf %get3A_199, %gather3A_227 : vector<16xf32>
        %add3A_229 = arith.addf %mul3A_224, %mul3A_228 : vector<16xf32>
        %broadcast_in_dim3A_230 = arith.constant 17 : i32
        %broadcast_in_dim3A_231 = vector.broadcast %broadcast_in_dim3A_230 : i32 to vector<16xi32>
        %gather3A_232 = tpu.vector_load_idx %arg9[%scan3A_186, %broadcast_in_dim3A_231] : memref<1024x24xf32, #tpu.memory_space<vmem>>[vector<16xi32>, vector<16xi32>], vector<16xf32>,
        %mul3A_233 = arith.mulf %get3A_203, %gather3A_232 : vector<16xf32>
        %add3A_234 = arith.addf %add3A_229, %mul3A_233 : vector<16xf32>
        %swap3A_235 = arith.constant 1 : i32
        %swap3A_236 = arith.index_cast %swap3A_235 : i32 to index
        %swap3A_237 = arith.index_cast %mul3A_205 : i32 to index
        %swap3A_238 = tpu.vector_load %arg11[%swap3A_236, %swap3A_237] {strides = array<i32>} : memref<3x1024xf32, #tpu.memory_space<vmem>>, vector<16xf32>,
        tpu.vector_store %arg11[%swap3A_236, %swap3A_237], %add3A_234 {strides = array<i32>} : memref<3x1024xf32, #tpu.memory_space<vmem>>, vector<16xf32>,
        %broadcast_in_dim3A_239 = arith.constant 2 : i32
        %broadcast_in_dim3A_240 = vector.broadcast %broadcast_in_dim3A_239 : i32 to vector<16xi32>
        %gather3A_241 = tpu.vector_load_idx %arg9[%scan3A_186, %broadcast_in_dim3A_240] : memref<1024x24xf32, #tpu.memory_space<vmem>>[vector<16xi32>, vector<16xi32>], vector<16xf32>,
        %mul3A_242 = arith.mulf %get3A_195, %gather3A_241 : vector<16xf32>
        %broadcast_in_dim3A_243 = arith.constant 10 : i32
        %broadcast_in_dim3A_244 = vector.broadcast %broadcast_in_dim3A_243 : i32 to vector<16xi32>
        %gather3A_245 = tpu.vector_load_idx %arg9[%scan3A_186, %broadcast_in_dim3A_244] : memref<1024x24xf32, #tpu.memory_space<vmem>>[vector<16xi32>, vector<16xi32>], vector<16xf32>,
        %mul3A_246 = arith.mulf %get3A_199, %gather3A_245 : vector<16xf32>
        %add3A_247 = arith.addf %mul3A_242, %mul3A_246 : vector<16xf32>
        %broadcast_in_dim3A_248 = arith.constant 18 : i32
        %broadcast_in_dim3A_249 = vector.broadcast %broadcast_in_dim3A_248 : i32 to vector<16xi32>
        %gather3A_250 = tpu.vector_load_idx %arg9[%scan3A_186, %broadcast_in_dim3A_249] : memref<1024x24xf32, #tpu.memory_space<vmem>>[vector<16xi32>, vector<16xi32>], vector<16xf32>,
        %mul3A_251 = arith.mulf %get3A_203, %gather3A_250 : vector<16xf32>
        %add3A_252 = arith.addf %add3A_247, %mul3A_251 : vector<16xf32>
        %swap3A_253 = arith.constant 2 : i32
        %swap3A_254 = arith.index_cast %swap3A_253 : i32 to index
        %swap3A_255 = arith.index_cast %mul3A_205 : i32 to index
        %swap3A_256 = tpu.vector_load %arg11[%swap3A_254, %swap3A_255] {strides = array<i32>} : memref<3x1024xf32, #tpu.memory_space<vmem>>, vector<16xf32>,
        tpu.vector_store %arg11[%swap3A_254, %swap3A_255], %add3A_252 {strides = array<i32>} : memref<3x1024xf32, #tpu.memory_space<vmem>>, vector<16xf32>,
        %add3A_257 = arith.constant 16 : i32
        %add3A_258 = vector.broadcast %add3A_257 : i32 to vector<16xi32>
        %add3A_259 = arith.addi %scan3A_186, %add3A_258 : vector<16xi32>
        scf.yield %add3A_259 : vector<16xi32>
      }
      %scan3A_153 = arith.constant 64 : i32
      %mul3A_154 = arith.constant 3 : i32
      %mul3A_155 = arith.muli %select_n3A, %mul3A_154 : i32
      %add3A_156 = arith.constant 0 : i32
      %add3A_157 = arith.addi %mul3A_155, %add3A_156 : i32
      %mul3A_158 = arith.constant 262144 : i32
      %mul3A_159 = arith.muli %add3A_157, %mul3A_158 : i32
      %add3A_160 = arith.addi %mul3A_159, %add3A_114 : i32
      %run_scoped3A_161 = arith.constant 0 : i32
      "tpu.region"() ({
        %run_scoped3A_185 = tpu.sem_alloc : memref<!tpu.dma_semaphore, #tpu.memory_space<semaphore_mem>>
        %dma_start3A_186 = arith.constant 0 : i32
        %dma_start3A_187 = tpu.memref_slice %arg11[%run_scoped3A_161, %dma_start3A_186] : memref<3x1024xf32, #tpu.memory_space<vmem>> -> memref<1x1024xf32, #tpu.memory_space<vmem>>
        %dma_start3A_188 = tpu.memref_squeeze %dma_start3A_187 : memref<1x1024xf32, #tpu.memory_space<vmem>> -> memref<1024xf32, #tpu.memory_space<vmem>>
        %dma_start3A_189 = tpu.memref_slice %arg5[%add3A_160] : memref<3145728xf32, #tpu.memory_space<hbm>> -> memref<1024xf32, #tpu.memory_space<hbm>>
        %dma_start3A_190 = tpu.memref_slice %arg5[%add3A_160] : memref<3145728xf32, #tpu.memory_space<hbm>> -> memref<1024xf32, #tpu.memory_space<hbm>>
        %dma_start3A_191 = arith.constant 0 : i32
        %dma_start3A_192 = tpu.memref_slice %arg11[%run_scoped3A_161, %dma_start3A_191] : memref<3x1024xf32, #tpu.memory_space<vmem>> -> memref<1x1024xf32, #tpu.memory_space<vmem>>
        %dma_start3A_193 = tpu.memref_squeeze %dma_start3A_192 : memref<1x1024xf32, #tpu.memory_space<vmem>> -> memref<1024xf32, #tpu.memory_space<vmem>>
        tpu.enqueue_dma source(%dma_start3A_193 : memref<1024xf32, #tpu.memory_space<vmem>>) target(%dma_start3A_190 : memref<1024xf32, #tpu.memory_space<hbm>>) target_semaphore(%run_scoped3A_185 : memref<!tpu.dma_semaphore, #tpu.memory_space<semaphore_mem>>)
        %dma_wait3A_194 = arith.constant 0 : i32
        %dma_wait3A_195 = tpu.memref_slice %arg11[%run_scoped3A_161, %dma_wait3A_194] : memref<3x1024xf32, #tpu.memory_space<vmem>> -> memref<1x1024xf32, #tpu.memory_space<vmem>>
        %dma_wait3A_196 = tpu.memref_squeeze %dma_wait3A_195 : memref<1x1024xf32, #tpu.memory_space<vmem>> -> memref<1024xf32, #tpu.memory_space<vmem>>
        %dma_wait3A_197 = tpu.memref_slice %arg5[%add3A_160] : memref<3145728xf32, #tpu.memory_space<hbm>> -> memref<1024xf32, #tpu.memory_space<hbm>>
        %dma_wait3A_198 = tpu.memref_slice %arg5[%add3A_160] : memref<3145728xf32, #tpu.memory_space<hbm>> -> memref<1024xf32, #tpu.memory_space<hbm>>
        %dma_wait3A_199 = arith.constant 0 : i32
        %dma_wait3A_200 = tpu.memref_slice %arg11[%run_scoped3A_161, %dma_wait3A_199] : memref<3x1024xf32, #tpu.memory_space<vmem>> -> memref<1x1024xf32, #tpu.memory_space<vmem>>
        %dma_wait3A_201 = tpu.memref_squeeze %dma_wait3A_200 : memref<1x1024xf32, #tpu.memory_space<vmem>> -> memref<1024xf32, #tpu.memory_space<vmem>>
        tpu.wait_dma2 semaphore(%run_scoped3A_185 : memref<!tpu.dma_semaphore, #tpu.memory_space<semaphore_mem>>) src(%dma_wait3A_201 : memref<1024xf32, #tpu.memory_space<vmem>>) dst(%dma_wait3A_198 : memref<1024xf32, #tpu.memory_space<hbm>>)
        tpu.yield
      }) : () -> ()
      %mul3A_162 = arith.constant 3 : i32
      %mul3A_163 = arith.muli %select_n3A, %mul3A_162 : i32
      %add3A_164 = arith.constant 1 : i32
      %add3A_165 = arith.addi %mul3A_163, %add3A_164 : i32
      %mul3A_166 = arith.constant 262144 : i32
      %mul3A_167 = arith.muli %add3A_165, %mul3A_166 : i32
      %add3A_168 = arith.addi %mul3A_167, %add3A_114 : i32
      %run_scoped3A_169 = arith.constant 1 : i32
      "tpu.region"() ({
        %run_scoped3A_185 = tpu.sem_alloc : memref<!tpu.dma_semaphore, #tpu.memory_space<semaphore_mem>>
        %dma_start3A_186 = arith.constant 0 : i32
        %dma_start3A_187 = tpu.memref_slice %arg11[%run_scoped3A_169, %dma_start3A_186] : memref<3x1024xf32, #tpu.memory_space<vmem>> -> memref<1x1024xf32, #tpu.memory_space<vmem>>
        %dma_start3A_188 = tpu.memref_squeeze %dma_start3A_187 : memref<1x1024xf32, #tpu.memory_space<vmem>> -> memref<1024xf32, #tpu.memory_space<vmem>>
        %dma_start3A_189 = tpu.memref_slice %arg5[%add3A_168] : memref<3145728xf32, #tpu.memory_space<hbm>> -> memref<1024xf32, #tpu.memory_space<hbm>>
        %dma_start3A_190 = tpu.memref_slice %arg5[%add3A_168] : memref<3145728xf32, #tpu.memory_space<hbm>> -> memref<1024xf32, #tpu.memory_space<hbm>>
        %dma_start3A_191 = arith.constant 0 : i32
        %dma_start3A_192 = tpu.memref_slice %arg11[%run_scoped3A_169, %dma_start3A_191] : memref<3x1024xf32, #tpu.memory_space<vmem>> -> memref<1x1024xf32, #tpu.memory_space<vmem>>
        %dma_start3A_193 = tpu.memref_squeeze %dma_start3A_192 : memref<1x1024xf32, #tpu.memory_space<vmem>> -> memref<1024xf32, #tpu.memory_space<vmem>>
        tpu.enqueue_dma source(%dma_start3A_193 : memref<1024xf32, #tpu.memory_space<vmem>>) target(%dma_start3A_190 : memref<1024xf32, #tpu.memory_space<hbm>>) target_semaphore(%run_scoped3A_185 : memref<!tpu.dma_semaphore, #tpu.memory_space<semaphore_mem>>)
        %dma_wait3A_194 = arith.constant 0 : i32
        %dma_wait3A_195 = tpu.memref_slice %arg11[%run_scoped3A_169, %dma_wait3A_194] : memref<3x1024xf32, #tpu.memory_space<vmem>> -> memref<1x1024xf32, #tpu.memory_space<vmem>>
        %dma_wait3A_196 = tpu.memref_squeeze %dma_wait3A_195 : memref<1x1024xf32, #tpu.memory_space<vmem>> -> memref<1024xf32, #tpu.memory_space<vmem>>
        %dma_wait3A_197 = tpu.memref_slice %arg5[%add3A_168] : memref<3145728xf32, #tpu.memory_space<hbm>> -> memref<1024xf32, #tpu.memory_space<hbm>>
        %dma_wait3A_198 = tpu.memref_slice %arg5[%add3A_168] : memref<3145728xf32, #tpu.memory_space<hbm>> -> memref<1024xf32, #tpu.memory_space<hbm>>
        %dma_wait3A_199 = arith.constant 0 : i32
        %dma_wait3A_200 = tpu.memref_slice %arg11[%run_scoped3A_169, %dma_wait3A_199] : memref<3x1024xf32, #tpu.memory_space<vmem>> -> memref<1x1024xf32, #tpu.memory_space<vmem>>
        %dma_wait3A_201 = tpu.memref_squeeze %dma_wait3A_200 : memref<1x1024xf32, #tpu.memory_space<vmem>> -> memref<1024xf32, #tpu.memory_space<vmem>>
        tpu.wait_dma2 semaphore(%run_scoped3A_185 : memref<!tpu.dma_semaphore, #tpu.memory_space<semaphore_mem>>) src(%dma_wait3A_201 : memref<1024xf32, #tpu.memory_space<vmem>>) dst(%dma_wait3A_198 : memref<1024xf32, #tpu.memory_space<hbm>>)
        tpu.yield
      }) : () -> ()
      %mul3A_170 = arith.constant 3 : i32
      %mul3A_171 = arith.muli %select_n3A, %mul3A_170 : i32
      %add3A_172 = arith.constant 2 : i32
      %add3A_173 = arith.addi %mul3A_171, %add3A_172 : i32
      %mul3A_174 = arith.constant 262144 : i32
      %mul3A_175 = arith.muli %add3A_173, %mul3A_174 : i32
      %add3A_176 = arith.addi %mul3A_175, %add3A_114 : i32
      %run_scoped3A_177 = arith.constant 2 : i32
      "tpu.region"() ({
        %run_scoped3A_185 = tpu.sem_alloc : memref<!tpu.dma_semaphore, #tpu.memory_space<semaphore_mem>>
        %dma_start3A_186 = arith.constant 0 : i32
        %dma_start3A_187 = tpu.memref_slice %arg11[%run_scoped3A_177, %dma_start3A_186] : memref<3x1024xf32, #tpu.memory_space<vmem>> -> memref<1x1024xf32, #tpu.memory_space<vmem>>
        %dma_start3A_188 = tpu.memref_squeeze %dma_start3A_187 : memref<1x1024xf32, #tpu.memory_space<vmem>> -> memref<1024xf32, #tpu.memory_space<vmem>>
        %dma_start3A_189 = tpu.memref_slice %arg5[%add3A_176] : memref<3145728xf32, #tpu.memory_space<hbm>> -> memref<1024xf32, #tpu.memory_space<hbm>>
        %dma_start3A_190 = tpu.memref_slice %arg5[%add3A_176] : memref<3145728xf32, #tpu.memory_space<hbm>> -> memref<1024xf32, #tpu.memory_space<hbm>>
        %dma_start3A_191 = arith.constant 0 : i32
        %dma_start3A_192 = tpu.memref_slice %arg11[%run_scoped3A_177, %dma_start3A_191] : memref<3x1024xf32, #tpu.memory_space<vmem>> -> memref<1x1024xf32, #tpu.memory_space<vmem>>
        %dma_start3A_193 = tpu.memref_squeeze %dma_start3A_192 : memref<1x1024xf32, #tpu.memory_space<vmem>> -> memref<1024xf32, #tpu.memory_space<vmem>>
        tpu.enqueue_dma source(%dma_start3A_193 : memref<1024xf32, #tpu.memory_space<vmem>>) target(%dma_start3A_190 : memref<1024xf32, #tpu.memory_space<hbm>>) target_semaphore(%run_scoped3A_185 : memref<!tpu.dma_semaphore, #tpu.memory_space<semaphore_mem>>)
        %dma_wait3A_194 = arith.constant 0 : i32
        %dma_wait3A_195 = tpu.memref_slice %arg11[%run_scoped3A_177, %dma_wait3A_194] : memref<3x1024xf32, #tpu.memory_space<vmem>> -> memref<1x1024xf32, #tpu.memory_space<vmem>>
        %dma_wait3A_196 = tpu.memref_squeeze %dma_wait3A_195 : memref<1x1024xf32, #tpu.memory_space<vmem>> -> memref<1024xf32, #tpu.memory_space<vmem>>
        %dma_wait3A_197 = tpu.memref_slice %arg5[%add3A_176] : memref<3145728xf32, #tpu.memory_space<hbm>> -> memref<1024xf32, #tpu.memory_space<hbm>>
        %dma_wait3A_198 = tpu.memref_slice %arg5[%add3A_176] : memref<3145728xf32, #tpu.memory_space<hbm>> -> memref<1024xf32, #tpu.memory_space<hbm>>
        %dma_wait3A_199 = arith.constant 0 : i32
        %dma_wait3A_200 = tpu.memref_slice %arg11[%run_scoped3A_177, %dma_wait3A_199] : memref<3x1024xf32, #tpu.memory_space<vmem>> -> memref<1x1024xf32, #tpu.memory_space<vmem>>
        %dma_wait3A_201 = tpu.memref_squeeze %dma_wait3A_200 : memref<1x1024xf32, #tpu.memory_space<vmem>> -> memref<1024xf32, #tpu.memory_space<vmem>>
        tpu.wait_dma2 semaphore(%run_scoped3A_185 : memref<!tpu.dma_semaphore, #tpu.memory_space<semaphore_mem>>) src(%dma_wait3A_201 : memref<1024xf32, #tpu.memory_space<vmem>>) dst(%dma_wait3A_198 : memref<1024xf32, #tpu.memory_space<hbm>>)
        tpu.yield
      }) : () -> ()
      %add3A_178 = arith.constant 2 : i32
      %add3A_179 = arith.addi %add3A_111, %add3A_178 : i32
      %lt3A_180 = arith.constant 32 : i32
      %lt3A_181 = arith.cmpi slt, %add3A_179, %lt3A_180 : i32
      %convert_element_type3A_182 = arith.extui %lt3A_181 : i1 to i32
      %cond3A_183 = arith.constant 0 : i32
      %cond3A_184 = arith.cmpi ne, %convert_element_type3A_182, %cond3A_183 : i32
      scf.if %cond3A_184 {
        %add3A_185 = arith.constant 2 : i32
        %add3A_186 = arith.addi %add3A_111, %add3A_185 : i32
        %mul3A_187 = arith.constant 1024 : i32
        %mul3A_188 = arith.muli %add3A_186, %mul3A_187 : i32
        %add3A_189 = arith.addi %mul3A_2, %mul3A_188 : i32
        "tpu.region"() ({
          %run_scoped3A_193 = tpu.sem_alloc : memref<!tpu.dma_semaphore, #tpu.memory_space<semaphore_mem>>
          %dma_start3A_194 = tpu.memref_slice %arg3[%add3A_189] : memref<1048576xi32, #tpu.memory_space<hbm>> -> memref<1024xi32, #tpu.memory_space<hbm>>
          %dma_start3A_195 = tpu.memref_slice %arg3[%add3A_189] : memref<1048576xi32, #tpu.memory_space<hbm>> -> memref<1024xi32, #tpu.memory_space<hbm>>
          tpu.enqueue_dma source(%dma_start3A_195 : memref<1024xi32, #tpu.memory_space<hbm>>) target(%arg7 : memref<1024xi32, #tpu.memory_space<vmem>>) target_semaphore(%run_scoped3A_193 : memref<!tpu.dma_semaphore, #tpu.memory_space<semaphore_mem>>)
          %dma_wait3A_196 = tpu.memref_slice %arg3[%add3A_189] : memref<1048576xi32, #tpu.memory_space<hbm>> -> memref<1024xi32, #tpu.memory_space<hbm>>
          %dma_wait3A_197 = tpu.memref_slice %arg3[%add3A_189] : memref<1048576xi32, #tpu.memory_space<hbm>> -> memref<1024xi32, #tpu.memory_space<hbm>>
          tpu.wait_dma2 semaphore(%run_scoped3A_193 : memref<!tpu.dma_semaphore, #tpu.memory_space<semaphore_mem>>) src(%dma_wait3A_197 : memref<1024xi32, #tpu.memory_space<hbm>>) dst(%arg7 : memref<1024xi32, #tpu.memory_space<vmem>>)
          tpu.yield
        }) : () -> ()
        %dma_start3A_190 = arith.constant 0 : i32
        %dma_start3A_191 = arith.constant 0 : i32
        %dma_start3A_192 = tpu.memref_slice %arg2[%dma_start3A_190, %dma_start3A_191] : memref<200704x24xf32, #tpu.memory_space<hbm>> -> memref<200704x24xf32, #tpu.memory_space<hbm>>
        tpu.enqueue_indirect_dma source(%dma_start3A_192 : memref<200704x24xf32, #tpu.memory_space<hbm>>) target(%arg9 : memref<1024x24xf32, #tpu.memory_space<vmem>>) offsets(%arg7 : memref<1024xi32, #tpu.memory_space<vmem>>) semaphore(%arg13 : memref<!tpu.dma_semaphore, #tpu.memory_space<semaphore_mem>>)
      } else {
      }
    }
    %scan3A_35 = arith.constant 16 : i32
    return
  }
}

</mosaic_0001>

<sc_bundles>
// kernel: kernel.4.cloned.1.call-start
scs
__scs_entry_jumppad:
0x0: {  	(pc) =	sbr.rel $0x88, $3  }
0x1: {  	(tag) =	ssettag $0x0;
	lr =	simm.s32 $0x1  }
0x2: {  	[smem:$0x3F9D] =	sst lr;
	_ =	strace $0xD0000000  }
0x3: {  	_ = 	snop  }
0x4: {  	_ = 	snop  }
0x5: {  	_ = 	snop  }
0x6: {  	_ = 	snop  }
0x7: {  	_ = 	snop  }
__scs_overlays_trampoline_lowered:
0x8: {  	[smem:$0x3FAC] =	sst s0  }
0x9: {  	[smem:$0x3FAD] =	sst s1  }
0xa: {  	[smem:$0x3FAE] =	sst s2  }
0xb: {  	[smem:$0x3FAF] =	sst s3  }
0xc: {  	[smem:$0x3FB0] =	sst s4  }
0xd: {  	[smem:$0x3FB1] =	sst s5  }
0xe: {  	[smem:$0x3FB2] =	sst s6  }
0xf: {  	[smem:$0x3FB3] =	sst s7  }
0x10: {  	[smem:$0x3FB4] =	sst s8  }
0x11: {  	[smem:$0x3FB5] =	sst s9;
	s0 =	simm.s32 @!p0 $0x0  }
0x12: {  	s1 =	sld [smem:$0x3F9B];
	s0 =	simm.s32 @p0 $0x1  }
0x13: {  	[smem:$0x3FB6] =	sst s0;
	s0 =	simm.s32 @!p1 $0x0  }
0x14: {  	s2 =	sld [smem:$0x3F9A];
	s0 =	simm.s32 @p1 $0x1  }
0x15: {  	[smem:$0x3FB7] =	sst s0;
	s0 =	simm.s32 @!p2 $0x0  }
0x16: {  	s3 =	sld [smem:$0x3FDB];
	s0 =	simm.s32 @p2 $0x1  }
0x17: {  	s4 =	simm.s32 $0x1BF5;
	[smem:$0x3FB9] =	sst s0  }
0x18: {  	s0 =	sld [smem:$0x3F9C];
	_ =	swait.ge [sflag:s4], $0x0  }
0x19: {  	s7 =	sld [smem:$0x3F9D]  }
0x1a: {  	s8 =	sadd.s32 $0xFFFFE003, lr  }
0x1b: {  	s9 =	sadd.s32 $0xFFFFFEF7, lr;
	s5 =	simm.s32 $0xFFFFFFFF;
	p2 =	slt.u32 s8, $0xFFFFF086  }
0x1c: {  	p1 =	slt.u32 s9, $0xF7A;
	s5 =	simm.s32 @!p2 $0x0  }
0x1d: {  	s5 =	simm.s32 @p1 $0x1;
	p0 =	seq.s32 s7, s2  }
0x1e: {  	s7 =	smul.u32 @!p0 $0xF7A, s2;
	p2 =	seq.s32 @!p0 s5, $0x0  }
0x1f: {  	s9 =	smul.u32 $0xF7A, s1;
	s8 =	simm.s32 @!p0 $0x1BF5;
	p2 =	por !p2, p0  }
0x20: {  	[sflag:s8] =	ssyncset.s32 @!p0 $0xFFFFF086;
	s6 =	sadd.s32 @!p0 s3, s7;
	s7 =	simm.s32 @!p0 $0x108  }
0x21: {  	s3 =	sadd.s32 s3, s9;
	s6 =	sadd.s32 @!p0 $0x88, s6;
	s7 =	simm.s32 @p2 $0x1082  }
0x22: {  	[simem:s7], [sflag:s8] =	dma.local @!p0 [hbm:s6], $0xF7A  }
0x23: {  	s9 =	sor.u32 $0xD0000000, s2;
	s6 =	simm.s32 $0x108;
	_ =	swait.ge @!p0 [sflag:s8], $0x0  }
0x24: {  	s3 =	sadd.s32 $0x88, s3;
	s6 =	simm.s32 @!p1 $0x1082;
	[sflag:s4] =	ssyncset.s32 $0xFFFFF086  }
0x25: {  	[simem:s6], [sflag:s4] =	dma.local [hbm:s3], $0xF7A  }
0x26: {  	[smem:$0x3F9D] =	sst s1;
	(tag) =	ssettag s2;
	_ =	strace s9  }
0x27: {  	s1 =	sld [smem:$0x3FAD]  }
0x28: {  	s2 =	sld [smem:$0x3FAE]  }
0x29: {  	s4 =	sld [smem:$0x3FB0]  }
0x2a: {  	p0 =	seq.s32 s5, $0x0;
	s5 =	sld [smem:$0x3FB1]  }
0x2b: {  	s6 =	sld [smem:$0x3FB2]  }
0x2c: {  	s7 =	sld [smem:$0x3FB3]  }
0x2d: {  	s3 =	simm.s32 $0x108;
	s8 =	sld [smem:$0x3FB4]  }
0x2e: {  	s3 =	simm.s32 @!p0 $0x1082;
	s9 =	sld [smem:$0x3FB5]  }
0x2f: {  	lr =	sadd.s32 s0, s3;
	s0 =	sld [smem:$0x3FAC]  }
0x30: {  	s3 =	sld [smem:$0x3FAF]  }
0x31: {  	[smem:$0x3FB8] =	sst s10  }
0x32: {  	s10 =	sld [smem:$0x3FB6];
	_ =	sdelay $0x3  }
0x33: {  	p0 =	seq.s32 s10, $0x1;
	s10 =	sld [smem:$0x3FB8];
	_ =	sdelay $0x3  }
0x34: {  	[smem:$0x3FB8] =	sst s10  }
0x35: {  	s10 =	sld [smem:$0x3FB7];
	_ =	sdelay $0x3  }
0x36: {  	p1 =	seq.s32 s10, $0x1;
	s10 =	sld [smem:$0x3FB8];
	_ =	sdelay $0x3  }
0x37: {  	[smem:$0x3FB8] =	sst s10  }
0x38: {  	s10 =	sld [smem:$0x3FB9]  }
0x39: {  	_ = 	snop;
	(pc) =	sbr.ind lr, $3  }
0x3a: {  	_ = 	snop  }
0x3b: {  	_ = 	snop  }
0x3c: {  	p2 =	seq.s32 s10, $0x1;
	s10 =	sld [smem:$0x3FB8]  }
0x3d: {  	_ =	shalt  }
0x3e: {  	_ =	shalt  }
0x3f: {  	_ =	shalt  }
0x40: {  	_ =	shalt  }
0x41: {  	_ =	shalt  }
0x42: {  	_ =	shalt  }
0x43: {  	_ =	shalt  }
0x44: {  	_ =	shalt  }
0x45: {  	_ =	shalt  }
0x46: {  	_ =	shalt  }
0x47: {  	_ =	shalt  }
0x48: {  	_ =	shalt  }
0x49: {  	_ =	shalt  }
0x4a: {  	_ =	shalt  }
0x4b: {  	_ =	shalt  }
0x4c: {  	_ =	shalt  }
0x4d: {  	_ =	shalt  }
0x4e: {  	_ =	shalt  }
0x4f: {  	_ =	shalt  }
0x50: {  	_ =	shalt  }
0x51: {  	_ =	shalt  }
0x52: {  	_ =	shalt  }
0x53: {  	_ =	shalt  }
0x54: {  	_ =	shalt  }
0x55: {  	_ =	shalt  }
0x56: {  	_ =	shalt  }
0x57: {  	_ =	shalt  }
0x58: {  	_ =	shalt  }
0x59: {  	_ =	shalt  }
0x5a: {  	_ =	shalt  }
0x5b: {  	_ =	shalt  }
0x5c: {  	_ =	shalt  }
0x5d: {  	_ =	shalt  }
0x5e: {  	_ =	shalt  }
0x5f: {  	_ =	shalt  }
0x60: {  	_ =	shalt  }
0x61: {  	_ =	shalt  }
0x62: {  	_ =	shalt  }
0x63: {  	_ =	shalt  }
0x64: {  	_ =	shalt  }
0x65: {  	_ =	shalt  }
0x66: {  	_ =	shalt  }
0x67: {  	_ =	shalt  }
0x68: {  	_ =	shalt  }
0x69: {  	_ =	shalt  }
0x6a: {  	_ =	shalt  }
0x6b: {  	_ =	shalt  }
0x6c: {  	_ =	shalt  }
0x6d: {  	_ =	shalt  }
0x6e: {  	_ =	shalt  }
0x6f: {  	_ =	shalt  }
0x70: {  	_ =	shalt  }
0x71: {  	_ =	shalt  }
0x72: {  	_ =	shalt  }
0x73: {  	_ =	shalt  }
0x74: {  	_ =	shalt  }
0x75: {  	_ =	shalt  }
0x76: {  	_ =	shalt  }
0x77: {  	_ =	shalt  }
0x78: {  	_ =	shalt  }
0x79: {  	_ =	shalt  }
0x7a: {  	_ =	shalt  }
0x7b: {  	_ =	shalt  }
0x7c: {  	_ =	shalt  }
0x7d: {  	_ =	shalt  }
0x7e: {  	_ =	shalt  }
0x7f: {  	_ =	shalt  }
0x80: {  	_ =	shalt  }
0x81: {  	_ =	shalt  }
0x82: {  	_ =	shalt  }
0x83: {  	_ =	shalt  }
0x84: {  	_ =	shalt  }
0x85: {  	_ =	shalt  }
0x86: {  	_ =	shalt  }
0x87: {  	_ =	shalt  }
.Lfunc_end0:
.L_simem_size_0:
called_computation_lowered:
.L_overlay_start_0:
0x88: {  	s2 =	sld [smem:$0x3FD9]  }
0x89: {  	s3 =	sld [smem:$0x3FFE];
	_ =	sdelay $0x1  }
0x8a: {  	s1 =	srdreg.scid  }
0x8b: {  	s0 =	sand.u32 $0x1, s1  }
0x8c: {  	s17 =	sshll.u32 s0, $0xA;
	s2 =	sadd.s32 s3, s2  }
0x8d: {  	s2 =	sadd.s32 s2, s17  }
0x8e: {  	[smem:$0x3FC4] =	sst s2  }
0x8f: {  	_ = 	snop  }
0x90: {  	s2 =	sld [smem:$0x3FD0];
	(tm) =	ssettm $0x1  }
0x91: {  	s18 =	sld [smem:$0x3FFB];
	_ =	sdelay $0x3  }
0x92: {  	_ =	strace s18  }
0x93: {  	s3 =	sld [smem:$0x3FFC];
	_ =	sdelay $0x3  }
0x94: {  	_ =	strace s3  }
0x95: {  	s3 =	sld [smem:$0x3FFD];
	_ =	sdelay $0x3  }
0x96: {  	_ =	strace s3  }
0x97: {  	_ =	strace $0x8FFFFFFF  }
0x98: {  	s19 =	sld [smem:$0x3FDB];
	_ =	sdelay $0x1  }
0x99: {  	s4 =	simm.s32 $_scs_section_size  }
0x9a: {  	s5 =	simm.s32 $_size__tile_overlayer_lowered;
	s6 =	simm.s32 $_tile_overlayer_lowered  }
0x9b: {  	s22 =	simm.s32 $0x1BFF;
	s21 =	sshll.u32 s6, $0x1;
	s3 =	sadd.s32 s4, s19  }
0x9c: {  	s7 =	simm.s32 $0x0;
	s20 =	sshll.u32 s5, $0x1;
	s5 =	sadd.s32 s21, s3  }
0x9d: {  	[timem:s7], [sflag:s22] =	dma.local [hbm:s5], s20  }
0x9e: {  	_ =	swait.ge [sflag:s22], s20  }
0x9f: {  	s4 =	ssub.s32 $0x0, s20;
	[sflag:s22] =	ssyncset.done $0x0  }
0xa0: {  	[sflag:s22] =	ssyncadd.s32 s4;
	_ =	sdelay $0x1  }
0xa1: {  	s23 =	simm.s32 $0x1B8B  }
0xa2: {  	_ =	swait.ge [sflag:s23], $0x1  }
0xa3: {  	[sflag:s23] =	ssyncset.done $0x0  }
0xa4: {  	s25 =	simm.s32 $0x1B8E;
	s24 =	sld [smem:$0x3FFE];
	[sflag:s23] =	ssyncadd.s32 $0xFFFFFFFF  }
0xa5: {  	s26 =	simm.s32 $execute0_lowered;
	[smem:$0x3FD2] =	sst s25  }
0xa6: {  	s5 =	sshll.u32 s26, $0x1;
	_ =	strace $0x80000046;
	[dreg:$0x1] =	wrdreg $0xFFFFFFFF  }
0xa7: {  	s28 =	simm.s32 $_size_execute0_lowered;
	s3 =	sadd.s32 s3, s5;
	[dreg:$0x0] =	wrdreg $0x0  }
0xa8: {  	s5 =	sshll.u32 s28, $0x1;
	[dreg:$0x2] =	wrdreg s3  }
0xa9: {  	[dreg:$0x3] =	wrdreg s5  }
0xaa: {  	[dreg:$0x4] =	wrdreg $0xC0  }
0xab: {  	_ =	task [dreg:s7], $0x5FFFF  }
0xac: {  	[dreg:$0x1] =	wrdreg $0xFFFFFFFF  }
0xad: {  	[dreg:$0x0] =	wrdreg $0x60  }
0xae: {  	[dreg:$0x2] =	wrdreg s2  }
0xaf: {  	[dreg:$0x3] =	wrdreg s24  }
0xb0: {  	[dreg:$0x4] =	wrdreg $0x9  }
0xb1: {  	_ =	task.clear_ibuf [dreg:s7], $0x5FFFF;
	_ =	strace $0x90000046  }
0xb2: {  	s29 =	simm.s32 $0x9;
	_ =	strace $0x80000048  }
0xb3: {  	_ =	swait.ge [sflag:s29], $0x1  }
0xb4: {  	[sflag:s29] =	ssyncadd.s32 $0xFFFFFFFF  }
0xb5: {  	_ =	strace $0x90000048  }
0xb6: {  	_ =	sfence  }
0xb7: {  	s30 =	sld [smem:$0x0];
	_ =	sdelay $0x2  }
0xb8: {  	s31 =	sshll.u32 s1, $0xD;
	s1 =	sshrl.u32 s1, $0x2  }
0xb9: {  	s3 =	sand.u32 $0x4000, s31;
	s1 =	sadd.s32 s1, s30  }
0xba: {  	s0 =	sor.u32 s3, s0;
	s1 =	sshll.u32 s1, $0x11  }
0xbb: {  	s0 =	sor.u32 s1, s0  }
0xbc: {  	s0 =	sadd.s32 $0x8F2B, s0  }
0xbd: {  	[sflag:s0] =	ssyncadd.remote.s32 $0x1  }
0xbe: {  	_ =	sfence.sel $0xFFFF  }
0xbf: {  	[dreg:$0x0] =	wrdreg $0xFFFFFFFF;
	(pc) =	sbr.abs _section_cstart, $3  }
0xc0: {  	[dreg:$0x1] =	wrdreg $0xFFFFFFFF  }
0xc1: {  	_ =	task.clear_ibuf [dreg:s7], $0x2FFFF;
	_ =	strace $0x9FFFFFFF  }
0xc2: {  	(tm) =	ssettm $0x7FFFFFFF  }
0xc3: {  	_ =	shalt  }
tec
execute0_lowered:
.L_overlay_start_1:
0x0: {  	(tag) =	ssettag $0x1  }
0x1: {  	s1 =	srdreg.scid;
	s0 =	stileid.u32  }
0x2: {  	s10 =	sand.u32 $0x1, s1;
	s30 =	sshll.u32 s0, $0x1  }
0x3: {  	s2 =	rddreg [dreg:$0x0];
	s1 =	sor.u32 s10, s30  }
0x4: {  	s8 =	rddreg [dreg:$0x1];
	s3 =	simm.s32 $0x0;
	s9 =	smul.u32 $0x4980, s1  }
0x5: {  	[smem:$0x7FF] =	sst s3  }
0x6: {  	s11 =	sadd.s32 $0xA00, s8;
	s1 =	rddreg [dreg:$0x2];
	s4 =	sshrl.u32 s9, $0x3  }
0x7: {  	_ =	strace $0x80000047;
	s5 =	sadd.s32 s11, s4;
	s4 =	simm.s32 $0x2  }
0x8: {  	[tilespmem:s3], [sflag:$0x2] =	stream.linear.gather [hbm4b:s5+s3], $0x24C0, $0x38;
	[tilespmem:$0x14AC0] =	vst v63  }
0x9: {  	_ =	swait.ge [sflag:s4], $0x24C0  }
0xa: {  	[sflag:s4] =	ssyncset.done $0x0  }
0xb: {  	s6 =	simm.s32 $0x24C0;
	s7 =	simm.s32 $0x1;
	[sflag:s4] =	ssyncadd.s32 $0xFFFFDB40  }
0xc: {  	[tilespmem:s6], [sflag:$0x1] =	stream.indirect.gather [hbm4b:s2+s6], $0x8, s3, s6, $0xb8;
	[tilespmem:$0x14AC0] =	vst v63  }
0xd: {  	_ =	swait.ge [sflag:s7], $0x12600  }
0xe: {  	s12 =	sadd.s32 $0x13000, s8;
	[sflag:s7] =	ssyncset.done $0x0  }
0xf: {  	s8 =	sadd.s32 s12, s9;
	[sflag:s7] =	ssyncadd.s32 $0xFFFEDA00  }
0x10: {  	[hbm4b:s8+s3] =	stream.linear.scatter [tilespmem:s6], [sflag:$0x2], $0x12600, $0x38;
	[tilespmem:$0x14AC0] =	vst v63  }
0x11: {  	s13 =	sadd.s32 $0x24C0, s9;
	_ =	swait.ge [sflag:s4], $0x12600  }
0x12: {  	s9 =	sshrl.u32 s13, $0x3;
	[sflag:s4] =	ssyncset.done $0x0  }
0x13: {  	s10 =	ssub.s32 $0x2, s10;
	s9 =	sadd.s32 s11, s9;
	[sflag:s4] =	ssyncadd.s32 $0xFFFEDA00  }
0x14: {  	[tilespmem:s3], [sflag:$0x2] =	stream.linear.gather [hbm4b:s9+s3], $0x24C0, $0x38;
	[tilespmem:$0x14AC0] =	vst v63  }
0x15: {  	s31 =	sshrl.u32 s10, $0x1;
	_ =	swait.ge [sflag:s4], $0x24C0  }
0x16: {  	s11 =	ssub.s32 s10, s31;
	[sflag:s4] =	ssyncset.done $0x0  }
0x17: {  	s11 =	smax.u32 s11, $0x1;
	[sflag:s4] =	ssyncadd.s32 $0xFFFFDB40  }
0x18: {  	[tilespmem:s6], [sflag:$0x1] =	stream.indirect.gather [hbm4b:s2+s6], $0x8, s3, s6, $0xb8;
	[tilespmem:$0x14AC0] =	vst v63  }
0x19: {  	p0 =	sne.s32 s11, $0x1;
	_ =	swait.ge [sflag:s7], $0x12600  }
.Ltmp0:
0x1a: {  	[sflag:s7] =	ssyncset.done $0x0;
	(pc) =	sbr.rel @!p0 .LBB2_2-.Ltmp0, $4  }
0x1b: {  	s10 =	sadd.s32 s12, s13;
	[sflag:s7] =	ssyncadd.s32 $0xFFFEDA00  }
0x1c: {  	[hbm4b:s10+s3] =	stream.linear.scatter [tilespmem:s6], [sflag:$0x2], $0x12600, $0x38;
	[tilespmem:$0x14AC0] =	vst v63  }
0x1d: {  	_ =	swait.ge [sflag:s4], $0x12600  }
0x1e: {  	s11 =	sadd.s32 $0xFFFFFFFF, s11;
	[sflag:s4] =	ssyncset.done $0x0  }
.LBB2_1:
0x1f: {  	p0 =	sne.s32 s11, $0x1;
	s11 =	sadd.s32 $0xFFFFFFFF, s11;
	[sflag:s4] =	ssyncadd.s32 $0xFFFEDA00  }
0x20: {  	[tilespmem:s3], [sflag:$0x2] =	stream.linear.gather [hbm4b:s5+s3], $0x24C0, $0x38;
	[tilespmem:$0x14AC0] =	vst v63  }
0x21: {  	_ =	swait.ge [sflag:s4], $0x24C0  }
0x22: {  	[sflag:s4] =	ssyncset.done $0x0  }
0x23: {  	[sflag:s4] =	ssyncadd.s32 $0xFFFFDB40  }
0x24: {  	[tilespmem:s6], [sflag:$0x1] =	stream.indirect.gather [hbm4b:s2+s6], $0x8, s3, s6, $0xb8;
	[tilespmem:$0x14AC0] =	vst v63  }
0x25: {  	_ =	swait.ge [sflag:s7], $0x12600  }
0x26: {  	[sflag:s7] =	ssyncset.done $0x0  }
0x27: {  	[sflag:s7] =	ssyncadd.s32 $0xFFFEDA00  }
0x28: {  	[hbm4b:s8+s3] =	stream.linear.scatter [tilespmem:s6], [sflag:$0x2], $0x12600, $0x38;
	[tilespmem:$0x14AC0] =	vst v63  }
0x29: {  	_ =	swait.ge [sflag:s4], $0x12600  }
0x2a: {  	[sflag:s4] =	ssyncset.done $0x0  }
0x2b: {  	[sflag:s4] =	ssyncadd.s32 $0xFFFEDA00  }
0x2c: {  	[tilespmem:s3], [sflag:$0x2] =	stream.linear.gather [hbm4b:s9+s3], $0x24C0, $0x38;
	[tilespmem:$0x14AC0] =	vst v63  }
0x2d: {  	_ =	swait.ge [sflag:s4], $0x24C0  }
0x2e: {  	[sflag:s4] =	ssyncset.done $0x0  }
0x2f: {  	[sflag:s4] =	ssyncadd.s32 $0xFFFFDB40  }
0x30: {  	[tilespmem:s6], [sflag:$0x1] =	stream.indirect.gather [hbm4b:s2+s6], $0x8, s3, s6, $0xb8;
	[tilespmem:$0x14AC0] =	vst v63  }
0x31: {  	_ =	swait.ge [sflag:s7], $0x12600  }
.Ltmp1:
0x32: {  	[sflag:s7] =	ssyncset.done $0x0;
	(pc) =	sbr.rel @p0 .LBB2_1-.Ltmp1, $4  }
0x33: {  	[sflag:s7] =	ssyncadd.s32 $0xFFFEDA00  }
0x34: {  	[hbm4b:s10+s3] =	stream.linear.scatter [tilespmem:s6], [sflag:$0x2], $0x12600, $0x38;
	[tilespmem:$0x14AC0] =	vst v63  }
0x35: {  	_ =	swait.ge [sflag:s4], $0x12600  }
0x36: {  	[sflag:s4] =	ssyncset.done $0x0  }
.LBB2_2:
0x37: {  	[sflag:s4] =	ssyncadd.s32 $0xFFFEDA00  }
0x38: {  	_ =	sfence.sel $0x180000  }
0x39: {  	[bflag:$0x0] =	sbarrier.arrive $0xFFFF  }
0x3a: {  	p0 =	sne.s32 s0, $0x0;
	_ =	strace $0x90000047  }
0x3b: {  	s0 =	sadd.s32 @!p0 $0x100000, s1;
	[bflag:$0x2] =	sbarrier.arrive $0xFFFF  }
0x3c: {  	[sflag:s0] =	ssyncadd.tile.s32 @!p0 $0x1;
	_ =	shalt  }
.Lfunc_end2:
_tile_overlayer_lowered:
.L_overlay_start_2:
0x3d: {  	(tag) =	ssettag $0x2  }
0x3e: {  	s0 =	rddreg [dreg:$0x0];
	s2 =	stileid.u32  }
0x3f: {  	s1 =	rddreg [dreg:$0x1];
	p0 =	sne.s32 s2, $0x0  }
0x40: {  	s3 =	rddreg [dreg:$0x2];
	[bflag:$0x3] =	sbarrier.arrive $0xFFFF;
	s2 =	simm.s32 @!p0 $0x1C02  }
0x41: {  	[timem:s3], [sflag:s2] =	dma.local @!p0 [hbm:s0], s1  }
0x42: {  	s0 =	simm.s32 @!p0 $0x2  }
0x43: {  	_ =	swait.ge @!p0 [sflag:s0], s1  }
0x44: {  	s1 =	ssub.s32 @!p0 $0x0, s1;
	[sflag:s0] =	ssyncset.done @!p0 $0x0  }
0x45: {  	[sflag:s0] =	ssyncadd.s32 @!p0 s1  }
0x46: {  	[bflag:$0x3] =	sbarrier.arrive $0xFFFF  }
0x47: {  	_ =	shalt  }

// kernel: kernel.7.cloned.1.call-start
scs
__scs_entry_jumppad:
0x0: {  	(pc) =	sbr.rel $0x88, $3  }
0x1: {  	(tag) =	ssettag $0x0;
	lr =	simm.s32 $0x1  }
0x2: {  	[smem:$0x3F9D] =	sst lr;
	_ =	strace $0xD0000000  }
0x3: {  	_ = 	snop  }
0x4: {  	_ = 	snop  }
0x5: {  	_ = 	snop  }
0x6: {  	_ = 	snop  }
0x7: {  	_ = 	snop  }
__scs_overlays_trampoline_lowered:
0x8: {  	[smem:$0x3FAC] =	sst s0  }
0x9: {  	[smem:$0x3FAD] =	sst s1  }
0xa: {  	[smem:$0x3FAE] =	sst s2  }
0xb: {  	[smem:$0x3FAF] =	sst s3  }
0xc: {  	[smem:$0x3FB0] =	sst s4  }
0xd: {  	[smem:$0x3FB1] =	sst s5  }
0xe: {  	[smem:$0x3FB2] =	sst s6  }
0xf: {  	[smem:$0x3FB3] =	sst s7  }
0x10: {  	[smem:$0x3FB4] =	sst s8  }
0x11: {  	[smem:$0x3FB5] =	sst s9;
	s0 =	simm.s32 @!p0 $0x0  }
0x12: {  	s1 =	sld [smem:$0x3F9B];
	s0 =	simm.s32 @p0 $0x1  }
0x13: {  	[smem:$0x3FB6] =	sst s0;
	s0 =	simm.s32 @!p1 $0x0  }
0x14: {  	s2 =	sld [smem:$0x3F9A];
	s0 =	simm.s32 @p1 $0x1  }
0x15: {  	[smem:$0x3FB7] =	sst s0;
	s0 =	simm.s32 @!p2 $0x0  }
0x16: {  	s3 =	sld [smem:$0x3FDB];
	s0 =	simm.s32 @p2 $0x1  }
0x17: {  	s4 =	simm.s32 $0x1BF5;
	[smem:$0x3FB9] =	sst s0  }
0x18: {  	s0 =	sld [smem:$0x3F9C];
	_ =	swait.ge [sflag:s4], $0x0  }
0x19: {  	s7 =	sld [smem:$0x3F9D]  }
0x1a: {  	s8 =	sadd.s32 $0xFFFFE003, lr  }
0x1b: {  	s9 =	sadd.s32 $0xFFFFFEF7, lr;
	s5 =	simm.s32 $0xFFFFFFFF;
	p2 =	slt.u32 s8, $0xFFFFF086  }
0x1c: {  	p1 =	slt.u32 s9, $0xF7A;
	s5 =	simm.s32 @!p2 $0x0  }
0x1d: {  	s5 =	simm.s32 @p1 $0x1;
	p0 =	seq.s32 s7, s2  }
0x1e: {  	s7 =	smul.u32 @!p0 $0xF7A, s2;
	p2 =	seq.s32 @!p0 s5, $0x0  }
0x1f: {  	s9 =	smul.u32 $0xF7A, s1;
	s8 =	simm.s32 @!p0 $0x1BF5;
	p2 =	por !p2, p0  }
0x20: {  	[sflag:s8] =	ssyncset.s32 @!p0 $0xFFFFF086;
	s6 =	sadd.s32 @!p0 s3, s7;
	s7 =	simm.s32 @!p0 $0x108  }
0x21: {  	s3 =	sadd.s32 s3, s9;
	s6 =	sadd.s32 @!p0 $0x88, s6;
	s7 =	simm.s32 @p2 $0x1082  }
0x22: {  	[simem:s7], [sflag:s8] =	dma.local @!p0 [hbm:s6], $0xF7A  }
0x23: {  	s9 =	sor.u32 $0xD0000000, s2;
	s6 =	simm.s32 $0x108;
	_ =	swait.ge @!p0 [sflag:s8], $0x0  }
0x24: {  	s3 =	sadd.s32 $0x88, s3;
	s6 =	simm.s32 @!p1 $0x1082;
	[sflag:s4] =	ssyncset.s32 $0xFFFFF086  }
0x25: {  	[simem:s6], [sflag:s4] =	dma.local [hbm:s3], $0xF7A  }
0x26: {  	[smem:$0x3F9D] =	sst s1;
	(tag) =	ssettag s2;
	_ =	strace s9  }
0x27: {  	s1 =	sld [smem:$0x3FAD]  }
0x28: {  	s2 =	sld [smem:$0x3FAE]  }
0x29: {  	s4 =	sld [smem:$0x3FB0]  }
0x2a: {  	p0 =	seq.s32 s5, $0x0;
	s5 =	sld [smem:$0x3FB1]  }
0x2b: {  	s6 =	sld [smem:$0x3FB2]  }
0x2c: {  	s7 =	sld [smem:$0x3FB3]  }
0x2d: {  	s3 =	simm.s32 $0x108;
	s8 =	sld [smem:$0x3FB4]  }
0x2e: {  	s3 =	simm.s32 @!p0 $0x1082;
	s9 =	sld [smem:$0x3FB5]  }
0x2f: {  	lr =	sadd.s32 s0, s3;
	s0 =	sld [smem:$0x3FAC]  }
0x30: {  	s3 =	sld [smem:$0x3FAF]  }
0x31: {  	[smem:$0x3FB8] =	sst s10  }
0x32: {  	s10 =	sld [smem:$0x3FB6];
	_ =	sdelay $0x3  }
0x33: {  	p0 =	seq.s32 s10, $0x1;
	s10 =	sld [smem:$0x3FB8];
	_ =	sdelay $0x3  }
0x34: {  	[smem:$0x3FB8] =	sst s10  }
0x35: {  	s10 =	sld [smem:$0x3FB7];
	_ =	sdelay $0x3  }
0x36: {  	p1 =	seq.s32 s10, $0x1;
	s10 =	sld [smem:$0x3FB8];
	_ =	sdelay $0x3  }
0x37: {  	[smem:$0x3FB8] =	sst s10  }
0x38: {  	s10 =	sld [smem:$0x3FB9]  }
0x39: {  	_ = 	snop;
	(pc) =	sbr.ind lr, $3  }
0x3a: {  	_ = 	snop  }
0x3b: {  	_ = 	snop  }
0x3c: {  	p2 =	seq.s32 s10, $0x1;
	s10 =	sld [smem:$0x3FB8]  }
0x3d: {  	_ =	shalt  }
0x3e: {  	_ =	shalt  }
0x3f: {  	_ =	shalt  }
0x40: {  	_ =	shalt  }
0x41: {  	_ =	shalt  }
0x42: {  	_ =	shalt  }
0x43: {  	_ =	shalt  }
0x44: {  	_ =	shalt  }
0x45: {  	_ =	shalt  }
0x46: {  	_ =	shalt  }
0x47: {  	_ =	shalt  }
0x48: {  	_ =	shalt  }
0x49: {  	_ =	shalt  }
0x4a: {  	_ =	shalt  }
0x4b: {  	_ =	shalt  }
0x4c: {  	_ =	shalt  }
0x4d: {  	_ =	shalt  }
0x4e: {  	_ =	shalt  }
0x4f: {  	_ =	shalt  }
0x50: {  	_ =	shalt  }
0x51: {  	_ =	shalt  }
0x52: {  	_ =	shalt  }
0x53: {  	_ =	shalt  }
0x54: {  	_ =	shalt  }
0x55: {  	_ =	shalt  }
0x56: {  	_ =	shalt  }
0x57: {  	_ =	shalt  }
0x58: {  	_ =	shalt  }
0x59: {  	_ =	shalt  }
0x5a: {  	_ =	shalt  }
0x5b: {  	_ =	shalt  }
0x5c: {  	_ =	shalt  }
0x5d: {  	_ =	shalt  }
0x5e: {  	_ =	shalt  }
0x5f: {  	_ =	shalt  }
0x60: {  	_ =	shalt  }
0x61: {  	_ =	shalt  }
0x62: {  	_ =	shalt  }
0x63: {  	_ =	shalt  }
0x64: {  	_ =	shalt  }
0x65: {  	_ =	shalt  }
0x66: {  	_ =	shalt  }
0x67: {  	_ =	shalt  }
0x68: {  	_ =	shalt  }
0x69: {  	_ =	shalt  }
0x6a: {  	_ =	shalt  }
0x6b: {  	_ =	shalt  }
0x6c: {  	_ =	shalt  }
0x6d: {  	_ =	shalt  }
0x6e: {  	_ =	shalt  }
0x6f: {  	_ =	shalt  }
0x70: {  	_ =	shalt  }
0x71: {  	_ =	shalt  }
0x72: {  	_ =	shalt  }
0x73: {  	_ =	shalt  }
0x74: {  	_ =	shalt  }
0x75: {  	_ =	shalt  }
0x76: {  	_ =	shalt  }
0x77: {  	_ =	shalt  }
0x78: {  	_ =	shalt  }
0x79: {  	_ =	shalt  }
0x7a: {  	_ =	shalt  }
0x7b: {  	_ =	shalt  }
0x7c: {  	_ =	shalt  }
0x7d: {  	_ =	shalt  }
0x7e: {  	_ =	shalt  }
0x7f: {  	_ =	shalt  }
0x80: {  	_ =	shalt  }
0x81: {  	_ =	shalt  }
0x82: {  	_ =	shalt  }
0x83: {  	_ =	shalt  }
0x84: {  	_ =	shalt  }
0x85: {  	_ =	shalt  }
0x86: {  	_ =	shalt  }
0x87: {  	_ =	shalt  }
.Lfunc_end0:
.L_simem_size_0:
called_computation.1_lowered:
.L_overlay_start_0:
0x88: {  	s2 =	sld [smem:$0x3FD9]  }
0x89: {  	s3 =	sld [smem:$0x3FFE];
	_ =	sdelay $0x1  }
0x8a: {  	s1 =	srdreg.scid  }
0x8b: {  	s0 =	sand.u32 $0x1, s1  }
0x8c: {  	s17 =	sshll.u32 s0, $0xA;
	s2 =	sadd.s32 s3, s2  }
0x8d: {  	s2 =	sadd.s32 s2, s17  }
0x8e: {  	[smem:$0x3FC4] =	sst s2  }
0x8f: {  	_ = 	snop  }
0x90: {  	s2 =	sld [smem:$0x3FC7]  }
0x91: {  	s18 =	sld [smem:$0x3FC6];
	(tm) =	ssettm $0x1  }
0x92: {  	s4 =	sld [smem:$0x3FFB];
	_ =	sdelay $0x3  }
0x93: {  	_ =	strace s4  }
0x94: {  	s4 =	sld [smem:$0x3FFC];
	_ =	sdelay $0x3  }
0x95: {  	_ =	strace s4  }
0x96: {  	s4 =	sld [smem:$0x3FFD];
	_ =	sdelay $0x3  }
0x97: {  	_ =	strace s4  }
0x98: {  	_ =	strace $0x8FFFFFFF  }
0x99: {  	s19 =	sld [smem:$0x3FDB];
	_ =	sdelay $0x1  }
0x9a: {  	s5 =	simm.s32 $_scs_section_size  }
0x9b: {  	s6 =	simm.s32 $_size__tile_overlayer_lowered;
	s7 =	simm.s32 $_tile_overlayer_lowered  }
0x9c: {  	s22 =	simm.s32 $0x1BFF;
	s21 =	sshll.u32 s7, $0x1;
	s4 =	sadd.s32 s5, s19  }
0x9d: {  	s8 =	simm.s32 $0x0;
	s20 =	sshll.u32 s6, $0x1;
	s6 =	sadd.s32 s21, s4  }
0x9e: {  	[timem:s8], [sflag:s22] =	dma.local [hbm:s6], s20  }
0x9f: {  	_ =	swait.ge [sflag:s22], s20  }
0xa0: {  	s5 =	ssub.s32 $0x0, s20;
	[sflag:s22] =	ssyncset.done $0x0  }
0xa1: {  	[sflag:s22] =	ssyncadd.s32 s5;
	_ =	sdelay $0x1  }
0xa2: {  	s23 =	simm.s32 $0x1B8B  }
0xa3: {  	_ =	swait.ge [sflag:s23], $0x1  }
0xa4: {  	[sflag:s23] =	ssyncset.done $0x0  }
0xa5: {  	s25 =	simm.s32 $0x1B8E;
	s24 =	sld [smem:$0x3FFE];
	[sflag:s23] =	ssyncadd.s32 $0xFFFFFFFF  }
0xa6: {  	s26 =	simm.s32 $execute0_lowered;
	[smem:$0x3FD2] =	sst s25  }
0xa7: {  	s6 =	sshll.u32 s26, $0x1;
	_ =	strace $0x80000049;
	[dreg:$0x1] =	wrdreg $0xFFFFFFFF  }
0xa8: {  	s28 =	simm.s32 $_size_execute0_lowered;
	s4 =	sadd.s32 s4, s6;
	[dreg:$0x0] =	wrdreg $0x0  }
0xa9: {  	s6 =	sshll.u32 s28, $0x1;
	[dreg:$0x2] =	wrdreg s4  }
0xaa: {  	[dreg:$0x3] =	wrdreg s6  }
0xab: {  	[dreg:$0x4] =	wrdreg $0xC0  }
0xac: {  	_ =	task [dreg:s8], $0x5FFFF  }
0xad: {  	[dreg:$0x1] =	wrdreg $0xFFFFFFFF  }
0xae: {  	[dreg:$0x0] =	wrdreg $0x60  }
0xaf: {  	[dreg:$0x2] =	wrdreg s24  }
0xb0: {  	[dreg:$0x3] =	wrdreg s2  }
0xb1: {  	[dreg:$0x4] =	wrdreg s18  }
0xb2: {  	[dreg:$0x5] =	wrdreg $0x9  }
0xb3: {  	_ =	task.clear_ibuf [dreg:s8], $0x6FFFF;
	_ =	strace $0x90000049  }
0xb4: {  	s29 =	simm.s32 $0x9;
	_ =	strace $0x8000004B  }
0xb5: {  	_ =	swait.ge [sflag:s29], $0x1  }
0xb6: {  	[sflag:s29] =	ssyncadd.s32 $0xFFFFFFFF  }
0xb7: {  	_ =	strace $0x9000004B  }
0xb8: {  	_ =	sfence  }
0xb9: {  	s30 =	sld [smem:$0x0];
	_ =	sdelay $0x2  }
0xba: {  	s31 =	sshll.u32 s1, $0xD;
	s1 =	sshrl.u32 s1, $0x2  }
0xbb: {  	s3 =	sand.u32 $0x4000, s31;
	s1 =	sadd.s32 s1, s30  }
0xbc: {  	s0 =	sor.u32 s3, s0;
	s1 =	sshll.u32 s1, $0x11  }
0xbd: {  	s0 =	sor.u32 s1, s0  }
0xbe: {  	s0 =	sadd.s32 $0x8F2B, s0  }
0xbf: {  	[sflag:s0] =	ssyncadd.remote.s32 $0x1  }
0xc0: {  	_ =	sfence.sel $0xFFFF  }
0xc1: {  	[dreg:$0x0] =	wrdreg $0xFFFFFFFF;
	(pc) =	sbr.abs _section_cstart, $3  }
0xc2: {  	[dreg:$0x1] =	wrdreg $0xFFFFFFFF  }
0xc3: {  	_ =	task.clear_ibuf [dreg:s8], $0x2FFFF;
	_ =	strace $0x9FFFFFFF  }
0xc4: {  	(tm) =	ssettm $0x7FFFFFFF  }
0xc5: {  	_ =	shalt  }
tec
execute0_lowered:
.L_overlay_start_1:
0x0: {  	(tag) =	ssettag $0x1  }
0x1: {  	s0 =	rddreg [dreg:$0x0]  }
0x2: {  	s1 =	rddreg [dreg:$0x1]  }
0x3: {  	s2 =	rddreg [dreg:$0x2];
	s4 =	simm.s32 $0x0  }
0x4: {  	s3 =	srdreg.scid;
	s9 =	stileid.u32;
	s16 =	simm.s32 $0x3  }
0x5: {  	s17 =	simm.s32 $0x400;
	s18 =	simm.s32 $0x800;
	s19 =	simm.s32 $0x6800  }
0x6: {  	s20 =	simm.s32 $0xC800;
	s21 =	simm.s32 $0x1;
	s22 =	simm.s32 $0xD400  }
0x7: {  	s23 =	simm.s32 $0xD800;
	s24 =	simm.s32 $0xDC00;
	s25 =	simm.s32 $0x2  }
0x8: {  	[smem:$0x7FF] =	sst s4;
	s3 =	sand.u32 $0x1, s3;
	s5 =	sadd.s32 $0x13000, s0  }
0x9: {  	s6 =	sshll.u32 s9, $0x10;
	s28 =	sshrl.u32 s9, $0x2;
	s7 =	sshll.u32 s3, $0xF  }
0xa: {  	_ =	strace $0x8000004A;
	s3 =	ssub.s32 $0x2, s3;
	s8 =	sor.u32 s7, s6  }
0xb: {  	s29 =	sshrl.u32 s3, $0x1;
	s6 =	smul.u32 $0xC0000, s28;
	s7 =	sadd.s32 $0xA6000, s0  }
.Ltmp0:
0xc: {  	s10 =	sshrl.u32 s8, $0x3;
	s30 =	ssub.s32 s3, s29;
	(pc) =	sbr.rel .LBB2_1-.Ltmp0, $4  }
0xd: {  	s9 =	sand.u32 $0x38000, s8;
	s13 =	sor.u32 $0x800, s8;
	s31 =	sadd.s32 s1, s10  }
0xe: {  	s14 =	sor.u32 $0xC00, s8;
	s0 =	smax.u32 s30, $0x1;
	[dreg:$0x4] =	wrdreg s31  }
0xf: {  	s11 =	sadd.s32 $0x40000, s6;
	s3 =	sadd.s32 $0x80, s31;
	[dreg:$0x6] =	wrdreg s0  }
0x10: {  	s12 =	sadd.s32 $0x80000, s6;
	[dreg:$0x5] =	wrdreg s3;
	s3 =	simm.s32 $0x0  }
.LBB2_8:
0x11: {  	s3 =	rddreg [dreg:$0x7]  }
0x12: {  	s0 =	rddreg [dreg:$0x6];
	s3 =	sadd.s32 $0x1, s3  }
0x13: {  	p0 =	sne.s32 s3, s0  }
.Ltmp1:
0x14: {  	_ = 	snop;
	(pc) =	sbr.rel @!p0 .LBB2_9-.Ltmp1, $1  }
0x15: {  	_ =	sdelay $0x3  }
.LBB2_1:
0x16: {  	[dreg:$0x7] =	wrdreg s3  }
0x17: {  	s0 =	rddreg [dreg:$0x4]  }
0x18: {  	[tilespmem:s4], [sflag:$0x3] =	stream.linear.gather [hbm4b:s0+s4], $0x400, $0x38;
	[tilespmem:$0xE000] =	vst v63  }
0x19: {  	_ =	swait.ge [sflag:s16], $0x400  }
0x1a: {  	[sflag:s16] =	ssyncset.done $0x0  }
0x1b: {  	[sflag:s16] =	ssyncadd.s32 $0xFFFFFC00  }
0x1c: {  	[tilespmem:s18], [sflag:$0x1] =	stream.indirect.gather [hbm4b:s5+s17], $0x18, s4, s17, $0xb8;
	[tilespmem:$0xE000] =	vst v63  }
0x1d: {  	s31 =	rddreg [dreg:$0x5]  }
0x1e: {  	[tilespmem:s17], [sflag:$0x3] =	stream.linear.gather [hbm4b:s31+s4], $0x400, $0x38;
	[tilespmem:$0xE000] =	vst v63  }
0x1f: {  	_ =	swait.ge [sflag:s16], $0x400  }
0x20: {  	[sflag:s16] =	ssyncset.done $0x0  }
0x21: {  	s28 =	simm.s32 $0x0;
	[sflag:s16] =	ssyncadd.s32 $0xFFFFFC00  }
0x22: {  	[tilespmem:s19], [sflag:$0x2] =	stream.indirect.gather [hbm4b:s5+s17], $0x18, s17, s17, $0xb8;
	[tilespmem:$0xE000] =	vst v63  }
.LBB2_2:
0x23: {  	s29 =	sshll.u32 s28, $0xB  }
0x24: {  	s30 =	sor.u32 s9, s29  }
0x25: {  	s0 =	sshrl.u32 s30, $0x9  }
0x26: {  	s0 =	smul.u32 $0x600, s0;
	_ =	sdelay $0x1  }
0x27: {  	s0 =	sadd.s32 s6, s0  }
0x28: {  	s0 =	sshrl.u32 s0, $0x3  }
0x29: {  	s3 =	simm.s32 $0x0;
	s0 =	sadd.s32 s2, s0  }
0x2a: {  	[tilespmem:s20], [sflag:$0x3] =	stream.linear.gather [hbm4b:s0+s3], $0xC00, $0x38;
	[tilespmem:$0xE000] =	vst v63  }
0x2b: {  	v0 =	vlaneseq.u32;
	_ =	swait.ge [sflag:s16], $0xC00  }
0x2c: {  	s26 =	simm.s32 $0x0;
	v1 =	vmul.u32 $0x18, v0;
	[sflag:s16] =	ssyncset.done $0x0  }
0x2d: {  	s0 =	smul.u32 $0x1800, s26;
	[sflag:s16] =	ssyncadd.s32 $0xFFFFF400  }
0x2e: {  	v2 =	vadd.s32 $0x8, v1;
	_ =	swait.ge [sflag:s21], $0x6000  }
0x2f: {  	s3 =	sand.u32 $0x1F0, s3;
	s0 =	sshra.s32 s0, $0x2;
	[sflag:s21] =	ssyncset.done $0x0  }
0x30: {  	v3 =	vadd.s32 $0x10, v1;
	s0 =	sor.u32 s3, s0;
	[sflag:s21] =	ssyncadd.s32 $0xFFFFA000  }
0x31: {  	v4 =	vld [tilespmem:s0+$0xC800]  }
0x32: {  	v5 =	vld.idx.msk [tilespmem:v1+s18+$0x0], $0xffff  }
0x33: {  	v2 =	vld.idx.msk [tilespmem:v2+s18+$0x0], $0xffff  }
0x34: {  	v6 =	vld [tilespmem:s0+$0xCA00]  }
0x35: {  	v3 =	vld.idx.msk [tilespmem:v3+s18+$0x0], $0xffff  }
0x36: {  	v7 =	vld [tilespmem:s0+$0xCC00];
	_ =	sdelay $0x2  }
0x37: {  	v5 =	vmul.f32 v5, v4;
	v2 =	vmul.f32 v2, v6;
	_ =	sdelay $0x1  }
0x38: {  	v3 =	vmul.f32 v3, v7;
	v2 =	vadd.f32 v2, v5;
	v5 =	vor.u32 $0x1, v1  }
0x39: {  	v8 =	vadd.s32 $0x9, v1  }
0x3a: {  	v2 =	vadd.f32 v3, v2  }
0x3b: {  	s31 =	simm.s32 $0xDC00;
	v3 =	vadd.s32 $0x11, v1  }
0x3c: {  	[tilespmem:s31+$0xFFFFF800] =	vst v2  }
0x3d: {  	v2 =	vld.idx.msk [tilespmem:v5+s18+$0x0], $0xffff  }
0x3e: {  	v5 =	vld.idx.msk [tilespmem:v8+s18+$0x0], $0xffff;
	_ =	sdelay $0x1  }
0x3f: {  	v3 =	vld.idx.msk [tilespmem:v3+s18+$0x0], $0xffff;
	_ =	sdelay $0x2  }
0x40: {  	v2 =	vmul.f32 v2, v4;
	v5 =	vmul.f32 v5, v6;
	_ =	sdelay $0x1  }
0x41: {  	v2 =	vadd.f32 v5, v2;
	v3 =	vmul.f32 v3, v7;
	v5 =	vor.u32 $0x2, v1  }
0x42: {  	v63 =	vadd.s32 $0xA, v1  }
0x43: {  	v2 =	vadd.f32 v3, v2  }
0x44: {  	v1 =	vadd.s32 $0x12, v1  }
0x45: {  	[tilespmem:s31+$0xFFFFFC00] =	vst v2  }
0x46: {  	v2 =	vld.idx.msk [tilespmem:v5+s18+$0x0], $0xffff  }
0x47: {  	v3 =	vld.idx.msk [tilespmem:v63+s18+$0x0], $0xffff;
	_ =	sdelay $0x1  }
0x48: {  	v5 =	vld.idx.msk [tilespmem:v1+s18+$0x0], $0xffff;
	_ =	sdelay $0x2  }
0x49: {  	v2 =	vmul.f32 v2, v4;
	v3 =	vmul.f32 v3, v6  }
0x4a: {  	s10 =	simm.s32 $0x2;
	v1 =	vadd.s32 $0x10, v0  }
0x4b: {  	s15 =	simm.s32 $0x0;
	s3 =	simm.s32 $0x10;
	s0 =	simm.s32 $0xDC00;
	v0 =	vmul.u32 $0x18, v1;
	v2 =	vadd.f32 v3, v2;
	v3 =	vmul.f32 v5, v7  }
.LBB2_3:
0x4c: {  	s26 =	smul.u32 $0x1800, s15  }
0x4d: {  	v4 =	vadd.s32 $0x8, v0;
	s31 =	sadd.s32 $0x10, s31;
	s15 =	smov.u32 s10;
	s8 =	sadd.s32 $0x1, s10  }
0x4e: {  	p0 =	sne.s32 s10, $0x3F;
	v2 =	vadd.f32 v3, v2  }
0x4f: {  	s10 =	sand.u32 $0x1F0, s3;
	v3 =	vadd.s32 $0x10, v0;
	s26 =	sshra.s32 s26, $0x2  }
0x50: {  	s10 =	sor.u32 s10, s26;
	[tilespmem:s0+$0x0] =	vst v2;
	s0 =	smov.u32 s31  }
0x51: {  	v2 =	vld [tilespmem:s10+$0xC800]  }
0x52: {  	v5 =	vld.idx.msk [tilespmem:v0+s18+$0x0], $0xffff  }
0x53: {  	v4 =	vld.idx.msk [tilespmem:v4+s18+$0x0], $0xffff  }
0x54: {  	v6 =	vld [tilespmem:s10+$0xCA00]  }
0x55: {  	v3 =	vld.idx.msk [tilespmem:v3+s18+$0x0], $0xffff  }
0x56: {  	v7 =	vld [tilespmem:s10+$0xCC00];
	_ =	sdelay $0x1  }
0x57: {  	v5 =	vmul.f32 v5, v2  }
0x58: {  	v4 =	vmul.f32 v4, v6;
	_ =	sdelay $0x1  }
0x59: {  	v4 =	vadd.f32 v4, v5;
	v3 =	vmul.f32 v3, v7;
	v5 =	vor.u32 $0x1, v0  }
0x5a: {  	v8 =	vadd.s32 $0x9, v0  }
0x5b: {  	v3 =	vadd.f32 v3, v4  }
0x5c: {  	v4 =	vadd.s32 $0x11, v0  }
0x5d: {  	[tilespmem:s31+$0xFFFFF800] =	vst v3  }
0x5e: {  	v3 =	vld.idx.msk [tilespmem:v5+s18+$0x0], $0xffff  }
0x5f: {  	v5 =	vld.idx.msk [tilespmem:v8+s18+$0x0], $0xffff;
	_ =	sdelay $0x1  }
0x60: {  	v4 =	vld.idx.msk [tilespmem:v4+s18+$0x0], $0xffff;
	_ =	sdelay $0x2  }
0x61: {  	v3 =	vmul.f32 v3, v2  }
0x62: {  	v5 =	vmul.f32 v5, v6;
	_ =	sdelay $0x1  }
0x63: {  	v3 =	vadd.f32 v5, v3;
	v4 =	vmul.f32 v4, v7;
	v5 =	vor.u32 $0x2, v0  }
0x64: {  	v8 =	vadd.s32 $0xA, v0  }
0x65: {  	v0 =	vadd.s32 $0x12, v0;
	v3 =	vadd.f32 v4, v3;
	_ =	sdelay $0x1  }
0x66: {  	[tilespmem:s31+$0xFFFFFC00] =	vst v3  }
0x67: {  	v3 =	vld.idx.msk [tilespmem:v5+s18+$0x0], $0xffff  }
0x68: {  	v4 =	vld.idx.msk [tilespmem:v8+s18+$0x0], $0xffff  }
0x69: {  	v5 =	vld.idx.msk [tilespmem:v0+s18+$0x0], $0xffff;
	_ =	sdelay $0x2  }
.Ltmp2:
0x6a: {  	(pc) =	sbr.rel @p0 .LBB2_3-.Ltmp2, $4  }
0x6b: {  	v2 =	vmul.f32 v3, v2  }
0x6c: {  	v1 =	vadd.s32 $0x10, v1;
	v3 =	vmul.f32 v4, v6  }
0x6d: {  	v0 =	vmul.u32 $0x18, v1  }
0x6e: {  	s3 =	sadd.s32 $0x10, s3;
	s15 =	sshrl.u32 s15, $0x5;
	s10 =	smov.u32 s8;
	v2 =	vadd.f32 v3, v2;
	v3 =	vmul.f32 v5, v7  }
0x6f: {  	s8 =	smul.u32 $0x1800, s15  }
0x70: {  	v2 =	vadd.f32 v3, v2  }
0x71: {  	v1 =	vadd.s32 $0x8, v0;
	s3 =	sand.u32 $0x1F0, s3;
	s8 =	sshra.s32 s8, $0x2  }
0x72: {  	s3 =	sor.u32 s3, s8;
	[tilespmem:s0+$0x0] =	vst v2  }
0x73: {  	v3 =	vadd.s32 $0x10, v0;
	v2 =	vld [tilespmem:s3+$0xC800]  }
0x74: {  	v4 =	vld.idx.msk [tilespmem:v0+s18+$0x0], $0xffff  }
0x75: {  	v5 =	vld [tilespmem:s3+$0xCA00]  }
0x76: {  	v1 =	vld.idx.msk [tilespmem:v1+s18+$0x0], $0xffff  }
0x77: {  	v6 =	vld [tilespmem:s3+$0xCC00]  }
0x78: {  	v3 =	vld.idx.msk [tilespmem:v3+s18+$0x0], $0xffff;
	_ =	sdelay $0x2  }
0x79: {  	v4 =	vmul.f32 v4, v2;
	v1 =	vmul.f32 v1, v5;
	_ =	sdelay $0x1  }
0x7a: {  	v3 =	vmul.f32 v3, v6;
	v1 =	vadd.f32 v1, v4;
	v4 =	vor.u32 $0x1, v0  }
0x7b: {  	v7 =	vadd.s32 $0x9, v0  }
0x7c: {  	v1 =	vadd.f32 v3, v1  }
0x7d: {  	s15 =	sadd.s32 $0x10, s31;
	v3 =	vadd.s32 $0x11, v0  }
0x7e: {  	[tilespmem:s15+$0xFFFFF800] =	vst v1  }
0x7f: {  	v1 =	vld.idx.msk [tilespmem:v4+s18+$0x0], $0xffff  }
0x80: {  	v4 =	vld.idx.msk [tilespmem:v7+s18+$0x0], $0xffff;
	_ =	sdelay $0x1  }
0x81: {  	v3 =	vld.idx.msk [tilespmem:v3+s18+$0x0], $0xffff;
	_ =	sdelay $0x2  }
0x82: {  	v1 =	vmul.f32 v1, v2;
	v4 =	vmul.f32 v4, v5;
	_ =	sdelay $0x1  }
0x83: {  	v1 =	vadd.f32 v4, v1;
	v3 =	vmul.f32 v3, v6;
	v4 =	vor.u32 $0x2, v0  }
0x84: {  	v60 =	vadd.s32 $0xA, v0  }
0x85: {  	v1 =	vadd.f32 v3, v1  }
0x86: {  	v0 =	vadd.s32 $0x12, v0  }
0x87: {  	[tilespmem:s15+$0xFFFFFC00] =	vst v1  }
0x88: {  	v1 =	vld.idx.msk [tilespmem:v4+s18+$0x0], $0xffff  }
0x89: {  	v3 =	vld.idx.msk [tilespmem:v60+s18+$0x0], $0xffff;
	_ =	sdelay $0x1  }
0x8a: {  	v0 =	vld.idx.msk [tilespmem:v0+s18+$0x0], $0xffff;
	_ =	sdelay $0x2  }
0x8b: {  	v1 =	vmul.f32 v1, v2;
	v2 =	vmul.f32 v3, v5;
	_ =	sdelay $0x1  }
0x8c: {  	v0 =	vmul.f32 v0, v6;
	v1 =	vadd.f32 v2, v1;
	_ =	sdelay $0x1  }
0x8d: {  	s26 =	sor.u32 s6, s30;
	v0 =	vadd.f32 v0, v1  }
0x8e: {  	s3 =	sshrl.u32 s26, $0x3  }
0x8f: {  	s8 =	sadd.s32 s7, s3;
	[tilespmem:s15+$0x0] =	vst v0  }
0x90: {  	[hbm4b:s8+s4] =	stream.linear.scatter [tilespmem:s22], [sflag:$0x3], $0x400, $0x38;
	[tilespmem:$0xE000] =	vst v63  }
0x91: {  	s10 =	sor.u32 s11, s30;
	_ =	swait.ge [sflag:s16], $0x400  }
0x92: {  	s0 =	sshrl.u32 s10, $0x3;
	[sflag:s16] =	ssyncset.done $0x0  }
0x93: {  	s0 =	sadd.s32 s7, s0;
	[sflag:s16] =	ssyncadd.s32 $0xFFFFFC00  }
0x94: {  	[hbm4b:s0+s4] =	stream.linear.scatter [tilespmem:s23], [sflag:$0x3], $0x400, $0x38;
	[tilespmem:$0xE000] =	vst v63  }
0x95: {  	s15 =	sor.u32 s12, s30;
	_ =	swait.ge [sflag:s16], $0x400  }
0x96: {  	s0 =	sshrl.u32 s15, $0x3;
	[sflag:s16] =	ssyncset.done $0x0  }
0x97: {  	p0 =	seq.s32 s28, $0xF;
	s0 =	sadd.s32 s7, s0;
	[sflag:s16] =	ssyncadd.s32 $0xFFFFFC00  }
0x98: {  	[hbm4b:s0+s4] =	stream.linear.scatter [tilespmem:s24], [sflag:$0x3], $0x400, $0x38;
	[tilespmem:$0xE000] =	vst v63  }
0x99: {  	s0 =	sadd.s32 @!p0 s29, s13;
	_ =	swait.ge [sflag:s16], $0x400  }
0x9a: {  	s0 =	sshrl.u32 @!p0 s0, $0x3;
	[sflag:s16] =	ssyncset.done $0x0  }
0x9b: {  	s3 =	simm.s32 @!p0 $0x0;
	s0 =	sadd.s32 @!p0 s1, s0;
	[sflag:s16] =	ssyncadd.s32 $0xFFFFFC00  }
0x9c: {  	[tilespmem:s3], [sflag:$0x3] =	stream.linear.gather @!p0 [hbm4b:s0+s3], $0x400, $0x38;
	[tilespmem:$0xE000] =	vst v63  }
0x9d: {  	s0 =	simm.s32 @!p0 $0x3  }
0x9e: {  	s30 =	sor.u32 $0x400, s30;
	_ =	swait.ge @!p0 [sflag:s0], $0x400  }
0x9f: {  	s10 =	simm.s32 @!p0 $0x800;
	s26 =	sshrl.u32 s30, $0x9;
	[sflag:s0] =	ssyncset.done @!p0 $0x0  }
0xa0: {  	s8 =	simm.s32 @!p0 $0x400;
	[sflag:s0] =	ssyncadd.s32 @!p0 $0xFFFFFC00;
	s0 =	smul.u32 $0x600, s26  }
0xa1: {  	[tilespmem:s10], [sflag:$0x1] =	stream.indirect.gather @!p0 [hbm4b:s5+s8], $0x18, s3, s8, $0xb8;
	[tilespmem:$0xE000] =	vst v63  }
0xa2: {  	s0 =	sadd.s32 s6, s0  }
0xa3: {  	s0 =	sshrl.u32 s0, $0x3  }
0xa4: {  	s15 =	simm.s32 $0x0;
	s0 =	sadd.s32 s2, s0  }
0xa5: {  	[tilespmem:s20], [sflag:$0x3] =	stream.linear.gather [hbm4b:s0+s15], $0xC00, $0x38;
	[tilespmem:$0xE000] =	vst v63  }
0xa6: {  	v0 =	vlaneseq.u32;
	_ =	swait.ge [sflag:s16], $0xC00  }
0xa7: {  	v1 =	vmul.u32 $0x18, v0;
	s26 =	simm.s32 $0x0;
	[sflag:s16] =	ssyncset.done $0x0  }
0xa8: {  	s0 =	smul.u32 $0x1800, s26;
	[sflag:s16] =	ssyncadd.s32 $0xFFFFF400  }
0xa9: {  	v2 =	vadd.s32 $0x8, v1;
	_ =	swait.ge [sflag:s25], $0x6000  }
0xaa: {  	s3 =	sand.u32 $0x1F0, s15;
	s0 =	sshra.s32 s0, $0x2;
	[sflag:s25] =	ssyncset.done $0x0  }
0xab: {  	v3 =	vadd.s32 $0x10, v1;
	s0 =	sor.u32 s3, s0;
	[sflag:s25] =	ssyncadd.s32 $0xFFFFA000  }
0xac: {  	v4 =	vld [tilespmem:s0+$0xC800]  }
0xad: {  	v5 =	vld.idx.msk [tilespmem:v1+s19+$0x0], $0xffff  }
0xae: {  	v2 =	vld.idx.msk [tilespmem:v2+s19+$0x0], $0xffff  }
0xaf: {  	v61 =	vld [tilespmem:s0+$0xCA00]  }
0xb0: {  	v3 =	vld.idx.msk [tilespmem:v3+s19+$0x0], $0xffff  }
0xb1: {  	v62 =	vld [tilespmem:s0+$0xCC00];
	_ =	sdelay $0x2  }
0xb2: {  	v5 =	vmul.f32 v5, v4;
	v2 =	vmul.f32 v2, v61;
	_ =	sdelay $0x1  }
0xb3: {  	v3 =	vmul.f32 v3, v62;
	v2 =	vadd.f32 v2, v5;
	v5 =	vor.u32 $0x1, v1  }
0xb4: {  	v8 =	vadd.s32 $0x9, v1  }
0xb5: {  	v2 =	vadd.f32 v3, v2  }
0xb6: {  	s31 =	simm.s32 $0xDC00;
	v3 =	vadd.s32 $0x11, v1  }
0xb7: {  	[tilespmem:s31+$0xFFFFF800] =	vst v2  }
0xb8: {  	v2 =	vld.idx.msk [tilespmem:v5+s19+$0x0], $0xffff  }
0xb9: {  	v5 =	vld.idx.msk [tilespmem:v8+s19+$0x0], $0xffff;
	_ =	sdelay $0x1  }
0xba: {  	v3 =	vld.idx.msk [tilespmem:v3+s19+$0x0], $0xffff;
	_ =	sdelay $0x2  }
0xbb: {  	v2 =	vmul.f32 v2, v4;
	v5 =	vmul.f32 v5, v61;
	_ =	sdelay $0x1  }
0xbc: {  	v2 =	vadd.f32 v5, v2;
	v3 =	vmul.f32 v3, v62;
	v5 =	vor.u32 $0x2, v1  }
0xbd: {  	v63 =	vadd.s32 $0xA, v1  }
0xbe: {  	v2 =	vadd.f32 v3, v2  }
0xbf: {  	v1 =	vadd.s32 $0x12, v1  }
0xc0: {  	[tilespmem:s31+$0xFFFFFC00] =	vst v2  }
0xc1: {  	v2 =	vld.idx.msk [tilespmem:v5+s19+$0x0], $0xffff  }
0xc2: {  	v3 =	vld.idx.msk [tilespmem:v63+s19+$0x0], $0xffff;
	_ =	sdelay $0x1  }
0xc3: {  	v5 =	vld.idx.msk [tilespmem:v1+s19+$0x0], $0xffff;
	_ =	sdelay $0x2  }
0xc4: {  	v2 =	vmul.f32 v2, v4;
	v3 =	vmul.f32 v3, v61  }
0xc5: {  	s8 =	simm.s32 $0x2;
	v1 =	vadd.s32 $0x10, v0  }
0xc6: {  	s15 =	simm.s32 $0x0;
	s3 =	simm.s32 $0x10;
	s0 =	simm.s32 $0xDC00;
	v0 =	vmul.u32 $0x18, v1;
	v2 =	vadd.f32 v3, v2;
	v3 =	vmul.f32 v5, v62  }
.LBB2_5:
0xc7: {  	s26 =	smul.u32 $0x1800, s15  }
0xc8: {  	v4 =	vadd.s32 $0x8, v0;
	s31 =	sadd.s32 $0x10, s31;
	s15 =	smov.u32 s8;
	s10 =	sadd.s32 $0x1, s8  }
0xc9: {  	p1 =	sne.s32 s8, $0x3F;
	v2 =	vadd.f32 v3, v2  }
0xca: {  	s8 =	sand.u32 $0x1F0, s3;
	v3 =	vadd.s32 $0x10, v0;
	s26 =	sshra.s32 s26, $0x2  }
0xcb: {  	s8 =	sor.u32 s8, s26;
	[tilespmem:s0+$0x0] =	vst v2;
	s0 =	smov.u32 s31  }
0xcc: {  	v2 =	vld [tilespmem:s8+$0xC800]  }
0xcd: {  	v5 =	vld.idx.msk [tilespmem:v0+s19+$0x0], $0xffff  }
0xce: {  	v4 =	vld.idx.msk [tilespmem:v4+s19+$0x0], $0xffff  }
0xcf: {  	v6 =	vld [tilespmem:s8+$0xCA00]  }
0xd0: {  	v3 =	vld.idx.msk [tilespmem:v3+s19+$0x0], $0xffff  }
0xd1: {  	v7 =	vld [tilespmem:s8+$0xCC00];
	_ =	sdelay $0x1  }
0xd2: {  	v5 =	vmul.f32 v5, v2  }
0xd3: {  	v4 =	vmul.f32 v4, v6;
	_ =	sdelay $0x1  }
0xd4: {  	v4 =	vadd.f32 v4, v5;
	v3 =	vmul.f32 v3, v7;
	v5 =	vor.u32 $0x1, v0  }
0xd5: {  	v8 =	vadd.s32 $0x9, v0  }
0xd6: {  	v3 =	vadd.f32 v3, v4  }
0xd7: {  	v4 =	vadd.s32 $0x11, v0  }
0xd8: {  	[tilespmem:s31+$0xFFFFF800] =	vst v3  }
0xd9: {  	v3 =	vld.idx.msk [tilespmem:v5+s19+$0x0], $0xffff  }
0xda: {  	v5 =	vld.idx.msk [tilespmem:v8+s19+$0x0], $0xffff;
	_ =	sdelay $0x1  }
0xdb: {  	v4 =	vld.idx.msk [tilespmem:v4+s19+$0x0], $0xffff;
	_ =	sdelay $0x2  }
0xdc: {  	v3 =	vmul.f32 v3, v2  }
0xdd: {  	v5 =	vmul.f32 v5, v6;
	_ =	sdelay $0x1  }
0xde: {  	v3 =	vadd.f32 v5, v3;
	v4 =	vmul.f32 v4, v7;
	v5 =	vor.u32 $0x2, v0  }
0xdf: {  	v8 =	vadd.s32 $0xA, v0  }
0xe0: {  	v0 =	vadd.s32 $0x12, v0;
	v3 =	vadd.f32 v4, v3;
	_ =	sdelay $0x1  }
0xe1: {  	[tilespmem:s31+$0xFFFFFC00] =	vst v3  }
0xe2: {  	v3 =	vld.idx.msk [tilespmem:v5+s19+$0x0], $0xffff  }
0xe3: {  	v4 =	vld.idx.msk [tilespmem:v8+s19+$0x0], $0xffff  }
0xe4: {  	v5 =	vld.idx.msk [tilespmem:v0+s19+$0x0], $0xffff;
	_ =	sdelay $0x2  }
.Ltmp3:
0xe5: {  	(pc) =	sbr.rel @p1 .LBB2_5-.Ltmp3, $4  }
0xe6: {  	v2 =	vmul.f32 v3, v2  }
0xe7: {  	v1 =	vadd.s32 $0x10, v1;
	v3 =	vmul.f32 v4, v6  }
0xe8: {  	v0 =	vmul.u32 $0x18, v1  }
0xe9: {  	s3 =	sadd.s32 $0x10, s3;
	s15 =	sshrl.u32 s15, $0x5;
	s8 =	smov.u32 s10;
	v2 =	vadd.f32 v3, v2;
	v3 =	vmul.f32 v5, v7  }
0xea: {  	s8 =	smul.u32 $0x1800, s15  }
0xeb: {  	v2 =	vadd.f32 v3, v2  }
0xec: {  	v1 =	vadd.s32 $0x8, v0;
	s3 =	sand.u32 $0x1F0, s3;
	s8 =	sshra.s32 s8, $0x2  }
0xed: {  	s3 =	sor.u32 s3, s8;
	[tilespmem:s0+$0x0] =	vst v2  }
0xee: {  	v55 =	vadd.s32 $0x10, v0;
	v2 =	vld [tilespmem:s3+$0xC800]  }
0xef: {  	v4 =	vld.idx.msk [tilespmem:v0+s19+$0x0], $0xffff  }
0xf0: {  	v5 =	vld [tilespmem:s3+$0xCA00]  }
0xf1: {  	v1 =	vld.idx.msk [tilespmem:v1+s19+$0x0], $0xffff  }
0xf2: {  	v6 =	vld [tilespmem:s3+$0xCC00]  }
0xf3: {  	v3 =	vld.idx.msk [tilespmem:v55+s19+$0x0], $0xffff;
	_ =	sdelay $0x2  }
0xf4: {  	v4 =	vmul.f32 v4, v2;
	v1 =	vmul.f32 v1, v5;
	_ =	sdelay $0x1  }
0xf5: {  	v56 =	vor.u32 $0x1, v0;
	v3 =	vmul.f32 v3, v6;
	v1 =	vadd.f32 v1, v4  }
0xf6: {  	v7 =	vadd.s32 $0x9, v0  }
0xf7: {  	v1 =	vadd.f32 v3, v1  }
0xf8: {  	v57 =	vadd.s32 $0x11, v0;
	s8 =	sadd.s32 $0x10, s31  }
0xf9: {  	[tilespmem:s8+$0xFFFFF800] =	vst v1  }
0xfa: {  	v1 =	vld.idx.msk [tilespmem:v56+s19+$0x0], $0xffff  }
0xfb: {  	v58 =	vld.idx.msk [tilespmem:v7+s19+$0x0], $0xffff;
	_ =	sdelay $0x1  }
0xfc: {  	v3 =	vld.idx.msk [tilespmem:v57+s19+$0x0], $0xffff;
	_ =	sdelay $0x2  }
0xfd: {  	v1 =	vmul.f32 v1, v2;
	v4 =	vmul.f32 v58, v5;
	_ =	sdelay $0x1  }
0xfe: {  	v59 =	vor.u32 $0x2, v0;
	v3 =	vmul.f32 v3, v6;
	v1 =	vadd.f32 v4, v1  }
0xff: {  	v60 =	vadd.s32 $0xA, v0  }
0x100: {  	v1 =	vadd.f32 v3, v1  }
0x101: {  	v61 =	vadd.s32 $0x12, v0  }
0x102: {  	[tilespmem:s8+$0xFFFFFC00] =	vst v1  }
0x103: {  	v1 =	vld.idx.msk [tilespmem:v59+s19+$0x0], $0xffff  }
0x104: {  	v62 =	vld.idx.msk [tilespmem:v60+s19+$0x0], $0xffff;
	_ =	sdelay $0x1  }
0x105: {  	v0 =	vld.idx.msk [tilespmem:v61+s19+$0x0], $0xffff;
	_ =	sdelay $0x2  }
0x106: {  	v1 =	vmul.f32 v1, v2;
	v63 =	vmul.f32 v62, v5;
	_ =	sdelay $0x1  }
0x107: {  	v0 =	vmul.f32 v0, v6;
	v1 =	vadd.f32 v63, v1;
	_ =	sdelay $0x1  }
0x108: {  	s10 =	sor.u32 s6, s30;
	v0 =	vadd.f32 v0, v1  }
0x109: {  	s3 =	sshrl.u32 s10, $0x3  }
0x10a: {  	s15 =	sadd.s32 s7, s3;
	[tilespmem:s8+$0x0] =	vst v0  }
0x10b: {  	[hbm4b:s15+s4] =	stream.linear.scatter [tilespmem:s22], [sflag:$0x3], $0x400, $0x38;
	[tilespmem:$0xE000] =	vst v63  }
0x10c: {  	s26 =	sor.u32 s11, s30;
	_ =	swait.ge [sflag:s16], $0x400  }
0x10d: {  	s0 =	sshrl.u32 s26, $0x3;
	[sflag:s16] =	ssyncset.done $0x0  }
0x10e: {  	s0 =	sadd.s32 s7, s0;
	[sflag:s16] =	ssyncadd.s32 $0xFFFFFC00  }
0x10f: {  	[hbm4b:s0+s4] =	stream.linear.scatter [tilespmem:s23], [sflag:$0x3], $0x400, $0x38;
	[tilespmem:$0xE000] =	vst v63  }
0x110: {  	s31 =	sor.u32 s12, s30;
	_ =	swait.ge [sflag:s16], $0x400  }
0x111: {  	s0 =	sshrl.u32 s31, $0x3;
	[sflag:s16] =	ssyncset.done $0x0  }
.Ltmp4:
0x112: {  	s0 =	sadd.s32 s7, s0;
	[sflag:s16] =	ssyncadd.s32 $0xFFFFFC00;
	(pc) =	sbr.rel @p0 .LBB2_8-.Ltmp4, $4  }
0x113: {  	[hbm4b:s0+s4] =	stream.linear.scatter [tilespmem:s24], [sflag:$0x3], $0x400, $0x38;
	[tilespmem:$0xE000] =	vst v63  }
0x114: {  	_ =	swait.ge [sflag:s16], $0x400  }
0x115: {  	[sflag:s16] =	ssyncset.done $0x0  }
0x116: {  	[sflag:s16] =	ssyncadd.s32 $0xFFFFFC00  }
0x117: {  	s0 =	sadd.s32 s29, s14  }
0x118: {  	s0 =	sshrl.u32 s0, $0x3  }
0x119: {  	s0 =	sadd.s32 s1, s0  }
0x11a: {  	[tilespmem:s17], [sflag:$0x3] =	stream.linear.gather [hbm4b:s0+s4], $0x400, $0x38;
	[tilespmem:$0xE000] =	vst v63  }
.Ltmp5:
0x11b: {  	_ = 	snop;
	(pc) =	sbr.rel .LBB2_2-.Ltmp5, $4  }
0x11c: {  	_ =	swait.ge [sflag:s16], $0x400  }
0x11d: {  	[sflag:s16] =	ssyncset.done $0x0  }
0x11e: {  	s28 =	sadd.s32 $0x1, s28;
	[sflag:s16] =	ssyncadd.s32 $0xFFFFFC00  }
0x11f: {  	[tilespmem:s19], [sflag:$0x2] =	stream.indirect.gather [hbm4b:s5+s17], $0x18, s17, s17, $0xb8;
	[tilespmem:$0xE000] =	vst v63  }
.LBB2_9:
0x120: {  	_ =	sfence.sel $0x180000  }
0x121: {  	[bflag:$0x0] =	sbarrier.arrive $0xFFFF  }
0x122: {  	_ =	strace $0x9000004A  }
0x123: {  	s0 =	stileid.u32;
	[bflag:$0x2] =	sbarrier.arrive $0xFFFF  }
0x124: {  	p0 =	sne.s32 s0, $0x0;
	s0 =	rddreg [dreg:$0x3]  }
0x125: {  	s0 =	sadd.s32 @!p0 $0x100000, s0  }
0x126: {  	[sflag:s0] =	ssyncadd.tile.s32 @!p0 $0x1;
	_ =	shalt  }
.Lfunc_end2:
_tile_overlayer_lowered:
.L_overlay_start_2:
0x127: {  	(tag) =	ssettag $0x2  }
0x128: {  	s0 =	rddreg [dreg:$0x0];
	s2 =	stileid.u32  }
0x129: {  	s1 =	rddreg [dreg:$0x1];
	p0 =	sne.s32 s2, $0x0  }
0x12a: {  	s3 =	rddreg [dreg:$0x2];
	[bflag:$0x3] =	sbarrier.arrive $0xFFFF;
	s2 =	simm.s32 @!p0 $0x1C03  }
0x12b: {  	[timem:s3], [sflag:s2] =	dma.local @!p0 [hbm:s0], s1  }
0x12c: {  	s0 =	simm.s32 @!p0 $0x3  }
0x12d: {  	_ =	swait.ge @!p0 [sflag:s0], s1  }
0x12e: {  	s1 =	ssub.s32 @!p0 $0x0, s1;
	[sflag:s0] =	ssyncset.done @!p0 $0x0  }
0x12f: {  	[sflag:s0] =	ssyncadd.s32 @!p0 s1  }
0x130: {  	[bflag:$0x3] =	sbarrier.arrive $0xFFFF  }
0x131: {  	_ =	shalt  }

</sc_bundles>
